<compile_context>
chip_gen: v7x
topology: tpu7x:2x2x1
jax: 0.10.2.dev20260603
libtpu: 0.0.44.dev20260713+nightly
codegen_flags: <defaults>
</compile_context>

<pallas_src>
import functools

import jax
import jax.numpy as jnp
from jax import lax
from jax.experimental import pallas as pl
from jax.experimental.pallas import tpu as pltpu
from jax.experimental.pallas import tpu_sc as plsc

D_MODEL = 64
SEQ = 200
PAD = 0
NUM_CORES = 2
NUM_SUBCORES = 16
NUM_WORKERS = NUM_CORES * NUM_SUBCORES
LANES = 16

CHUNK = 400
GSTEP = 80
NGS = CHUNK // GSTEP


def _sc_gather_body(nchunks, x_hbm, table_hbm, pe_hbm, out_hbm,
                    idx_v, rows_v, rows2_v, pe_v, sem_g):
    wid = lax.axis_index("s") * NUM_CORES + lax.axis_index("c")
    base = wid * (nchunks * CHUNK)

    pltpu.sync_copy(pe_hbm, pe_v)

    def chunk_body(k, carry):
        cbase = base + k * CHUNK
        pltpu.sync_copy(x_hbm.at[pl.ds(cbase, CHUNK)], idx_v)

        def remap_body(t, c):
            sl = pl.ds(t * LANES, LANES)
            iv = idx_v[sl]
            idx_v[sl] = ((iv & jnp.int32(~(2 * TBLOCK - 1)))
                         + ((iv & jnp.int32(TBLOCK - 1)) << 1)
                         + ((iv >> TSHIFT) & jnp.int32(1)))
            return c

        lax.fori_loop(0, CHUNK // LANES, remap_body, 0)

        descs = [
            pltpu.async_copy(
                table_hbm.at[idx_v.at[pl.ds(g * GSTEP, GSTEP)]],
                rows_v.at[pl.ds(g * GSTEP, GSTEP)],
                sem_g,
            )
            for g in range(NGS)
        ]
        for d in descs:
            d.wait()

        def add_body(r, c):
            for d in range(D_MODEL // LANES):
                sl = pl.ds(d * LANES, LANES)
                pv = pe_v[r, sl]
                for p in range(CHUNK // SEQ):
                    row = p * SEQ + r
                    rows2_v[row >> 1, pl.ds((row & 1) * D_MODEL + d * LANES,
                                            LANES)] = rows_v[row, sl] + pv
            return c

        lax.fori_loop(0, SEQ, add_body, 0)

        pltpu.sync_copy(rows2_v, out_hbm.at[pl.ds(cbase // 2, CHUNK // 2)])
        return carry

    lax.fori_loop(0, nchunks, chunk_body, 0)


def _mask_body(x_ref, m_ref):
    m_ref[...] = x_ref[...] == PAD


TBLOCK = 8192
TSHIFT = 13


def _transpose_body(a_ref, b_ref, out_ref):
    out_ref[:, :D_MODEL] = a_ref[...].T
    out_ref[:, D_MODEL:] = b_ref[...].T


def kernel(x, table, pe):
    b, s = x.shape
    v, d = table.shape
    n = b * s
    assert s == SEQ and d == D_MODEL
    assert n % (NUM_WORKERS * CHUNK) == 0
    nchunks = n // (NUM_WORKERS * CHUNK)

    x1d = x.reshape(n)
    pe_seq = pe[:s]

    tt = table.T
    nb = pl.cdiv(v, 2 * TBLOCK)
    vpad = nb * TBLOCK
    table_rm = pl.pallas_call(
        _transpose_body,
        grid=(nb,),
        in_specs=[
            pl.BlockSpec((d, TBLOCK), lambda i: (0, 2 * i)),
            pl.BlockSpec(
                (d, TBLOCK),
                lambda i, hi=2 * nb - 2: (0, jnp.minimum(2 * i + 1, hi))),
        ],
        out_specs=pl.BlockSpec((TBLOCK, 2 * d), lambda i: (i, 0)),
        out_shape=jax.ShapeDtypeStruct((vpad, 2 * d), jnp.float32),
        compiler_params=pltpu.CompilerParams(skip_device_barrier=True),
    )(tt, tt).reshape(2 * vpad, d)

    mesh = plsc.VectorSubcoreMesh(
        core_axis_name="c", subcore_axis_name="s",
        num_cores=NUM_CORES, num_subcores=NUM_SUBCORES)

    gather = pl.kernel(
        functools.partial(_sc_gather_body, nchunks),
        out_type=jax.ShapeDtypeStruct((n // 2, 2 * d), jnp.float32),
        mesh=mesh,
        scratch_types=[
            pltpu.VMEM((CHUNK,), jnp.int32),
            pltpu.VMEM((CHUNK, d), jnp.float32),
            pltpu.VMEM((CHUNK // 2, 2 * d), jnp.float32),
            pltpu.VMEM((SEQ, d), jnp.float32),
            pltpu.SemaphoreType.DMA,
        ],
        compiler_params=pltpu.CompilerParams(
            use_tc_tiling_on_sc=False, skip_device_barrier=True),
    )

    out = gather(x1d, table_rm, pe_seq).reshape(b, s, d)

    mask = pl.pallas_call(
        _mask_body,
        out_shape=jax.ShapeDtypeStruct((b, s), jnp.bool_),
        compiler_params=pltpu.CompilerParams(skip_device_barrier=True),
    )(x)

    return (out, mask)

# --- scband reference (transcript-rebuilt; emitter-appended) ---
"""Pipeline reference for scband-pre-continuous-block-84567906058891 (READ-ONLY COPY).

The authoritative reference and input builder live on the scoring server;
editing this copy changes nothing except your own understanding.
"""

import jax, jax.numpy as jnp
import numpy as np

VOCAB = 1000000
D_MODEL = 64
PAD_TOKEN_ID = 0
MAX_LEN = 5000
BATCH = 1024
SEQ = 200

def make_sinusoidal_pe(d_model, max_len=MAX_LEN):
    position = np.arange(max_len, dtype=np.float32)[:, None]
    div_term = np.exp(np.arange(0, d_model, 2, dtype=np.float32) * (-np.log(10000.0) / d_model))
    pe = np.zeros((max_len, d_model), dtype=np.float32)
    pe[:, 0::2] = np.sin(position * div_term)
    pe[:, 1::2] = np.cos(position * div_term)
    return jnp.asarray(pe)

def setup_inputs(seed: int = 0):
    key = jax.random.key(seed)
    k1, k2 = jax.random.split(key)
    x = jax.random.randint(k1, (BATCH, SEQ), 0, VOCAB)
    table = jax.random.normal(k2, (VOCAB, D_MODEL), dtype=jnp.float32)
    pe = make_sinusoidal_pe(D_MODEL)
    return {"x": x, "table": table, "pe": pe}

def reference(x, table, pe):
    # padding mask: True where token == pad_token_id
    padding_mask = (x == PAD_TOKEN_ID)
    # embedding lookup (gather)
    emb = jnp.take(table, x, axis=0)
    # add sinusoidal positional encoding
    seq_len = x.shape[1]
    out = emb + pe[:seq_len][None, :, :]
    return (out, padding_mask)

if __name__ == "__main__":
    import jax
    _d = setup_inputs()
    print(jax.jit(kernel)(*tuple(_d.values())))

</pallas_src>

<mosaic_0001>
#map = affine_map<(d0, d1) -> (0)>
#map1 = affine_map<(d0, d1) -> (0, 0)>
module attributes {stable_mosaic.version = 14 : i64} {
  func.func @_sc_gather_body(%arg0: i32, %arg1: i32, %arg2: memref<204800xi32, #tpu.memory_space<hbm>>, %arg3: memref<1015808x64xf32, #tpu.memory_space<hbm>>, %arg4: memref<200x64xf32, #tpu.memory_space<hbm>>, %arg5: memref<102400x128xf32, #tpu.memory_space<hbm>>, %arg6: memref<400xi32, #tpu.memory_space<vmem>>, %arg7: memref<400x64xf32, #tpu.memory_space<vmem>>, %arg8: memref<200x128xf32, #tpu.memory_space<vmem>>, %arg9: memref<200x64xf32, #tpu.memory_space<vmem>>, %arg10: memref<!tpu.dma_semaphore, #tpu.memory_space<semaphore_mem>>) attributes {dimension_semantics = [#tpu.dimension_semantics<core_parallel>, #tpu.dimension_semantics<subcore_parallel>], iteration_bounds = array<i64: 2, 16>, scalar_prefetch = 0 : i64, scratch_operands = 5 : i64, tpu.core_type = #tpu.core_type<sc_vector_subcore>, window_params = [{transform_indices = #map}, {transform_indices = #map1}, {transform_indices = #map1}, {transform_indices = #map1}]} {
    %mul3A = arith.constant 2 : i32
    %mul3A_0 = arith.muli %arg1, %mul3A : i32
    %add3A = arith.addi %mul3A_0, %arg0 : i32
    %mul3A_1 = arith.constant 6400 : i32
    %mul3A_2 = arith.muli %add3A, %mul3A_1 : i32
    "tpu.region"() ({
      %run_scoped3A = tpu.sem_alloc : memref<!tpu.dma_semaphore, #tpu.memory_space<semaphore_mem>>
      tpu.enqueue_dma source(%arg4 : memref<200x64xf32, #tpu.memory_space<hbm>>) target(%arg9 : memref<200x64xf32, #tpu.memory_space<vmem>>) target_semaphore(%run_scoped3A : memref<!tpu.dma_semaphore, #tpu.memory_space<semaphore_mem>>)
      tpu.wait_dma2 semaphore(%run_scoped3A : memref<!tpu.dma_semaphore, #tpu.memory_space<semaphore_mem>>) src(%arg4 : memref<200x64xf32, #tpu.memory_space<hbm>>) dst(%arg9 : memref<200x64xf32, #tpu.memory_space<vmem>>)
      tpu.yield
    }) : () -> ()
    %scan3A = arith.constant 0 : i32
    %scan3A_3 = arith.constant 0 : i32
    %scan3A_4 = arith.constant 16 : i32
    %scan3A_5 = arith.addi %scan3A_3, %scan3A_4 : i32
    %scan3A_6 = arith.constant 1 : i32
    scf.for %scan3A_8 = %scan3A_3 to %scan3A_5 step %scan3A_6  : i32 {
      %mul3A_9 = arith.constant 400 : i32
      %mul3A_10 = arith.muli %scan3A_8, %mul3A_9 : i32
      %add3A_11 = arith.addi %mul3A_2, %mul3A_10 : i32
      "tpu.region"() ({
        %run_scoped3A = tpu.sem_alloc : memref<!tpu.dma_semaphore, #tpu.memory_space<semaphore_mem>>
        %dma_start3A_118 = tpu.memref_slice %arg2[%add3A_11] : memref<204800xi32, #tpu.memory_space<hbm>> -> memref<400xi32, #tpu.memory_space<hbm>>
        %dma_start3A_119 = tpu.memref_slice %arg2[%add3A_11] : memref<204800xi32, #tpu.memory_space<hbm>> -> memref<400xi32, #tpu.memory_space<hbm>>
        tpu.enqueue_dma source(%dma_start3A_119 : memref<400xi32, #tpu.memory_space<hbm>>) target(%arg6 : memref<400xi32, #tpu.memory_space<vmem>>) target_semaphore(%run_scoped3A : memref<!tpu.dma_semaphore, #tpu.memory_space<semaphore_mem>>)
        %dma_wait3A_120 = tpu.memref_slice %arg2[%add3A_11] : memref<204800xi32, #tpu.memory_space<hbm>> -> memref<400xi32, #tpu.memory_space<hbm>>
        %dma_wait3A_121 = tpu.memref_slice %arg2[%add3A_11] : memref<204800xi32, #tpu.memory_space<hbm>> -> memref<400xi32, #tpu.memory_space<hbm>>
        tpu.wait_dma2 semaphore(%run_scoped3A : memref<!tpu.dma_semaphore, #tpu.memory_space<semaphore_mem>>) src(%dma_wait3A_121 : memref<400xi32, #tpu.memory_space<hbm>>) dst(%arg6 : memref<400xi32, #tpu.memory_space<vmem>>)
        tpu.yield
      }) : () -> ()
      %scan3A_12 = arith.constant 0 : i32
      %scan3A_13 = arith.constant 0 : i32
      %scan3A_14 = arith.constant 25 : i32
      %scan3A_15 = arith.addi %scan3A_13, %scan3A_14 : i32
      %scan3A_16 = arith.constant 1 : i32
      scf.for %scan3A_118 = %scan3A_13 to %scan3A_15 step %scan3A_16  : i32 {
        %mul3A_119 = arith.constant 16 : i32
        %mul3A_120 = arith.muli %scan3A_118, %mul3A_119 : i32
        %get3A = arith.index_cast %mul3A_120 : i32 to index
        %get3A_121 = tpu.vector_load %arg6[%get3A] {strides = array<i32>} : memref<400xi32, #tpu.memory_space<vmem>>, vector<16xi32>,
        %get3A_122 = vector.shape_cast %get3A_121 : vector<16xi32> to vector<16xi32>
        %and3A_123 = arith.constant -16384 : i32
        %and3A_124 = vector.broadcast %and3A_123 : i32 to vector<16xi32>
        %and3A_125 = arith.andi %get3A_122, %and3A_124 : vector<16xi32>
        %and3A_126 = arith.constant 8191 : i32
        %and3A_127 = vector.broadcast %and3A_126 : i32 to vector<16xi32>
        %and3A_128 = arith.andi %get3A_122, %and3A_127 : vector<16xi32>
        %shift_left3A = arith.constant 1 : i32
        %shift_left3A_129 = vector.broadcast %shift_left3A : i32 to vector<16xi32>
        %shift_left3A_130 = arith.shli %and3A_128, %shift_left3A_129 : vector<16xi32>
        %add3A_131 = arith.addi %and3A_125, %shift_left3A_130 : vector<16xi32>
        %shift_right_arithmetic3A = arith.constant 13 : i32
        %shift_right_arithmetic3A_132 = vector.broadcast %shift_right_arithmetic3A : i32 to vector<16xi32>
        %shift_right_arithmetic3A_133 = arith.shrsi %get3A_122, %shift_right_arithmetic3A_132 : vector<16xi32>
        %and3A_134 = arith.constant 1 : i32
        %and3A_135 = vector.broadcast %and3A_134 : i32 to vector<16xi32>
        %and3A_136 = arith.andi %shift_right_arithmetic3A_133, %and3A_135 : vector<16xi32>
        %add3A_137 = arith.addi %add3A_131, %and3A_136 : vector<16xi32>
        %swap3A = arith.index_cast %mul3A_120 : i32 to index
        %swap3A_138 = tpu.vector_load %arg6[%swap3A] {strides = array<i32>} : memref<400xi32, #tpu.memory_space<vmem>>, vector<16xi32>,
        %swap3A_139 = vector.shape_cast %swap3A_138 : vector<16xi32> to vector<16xi32>
        %swap3A_140 = vector.shape_cast %add3A_137 : vector<16xi32> to vector<16xi32>
        tpu.vector_store %arg6[%swap3A], %swap3A_140 {strides = array<i32>} : memref<400xi32, #tpu.memory_space<vmem>>, vector<16xi32>,
      }
      %scan3A_17 = arith.constant 25 : i32
      %dma_start3A = arith.constant 0 : i32
      %dma_start3A_18 = arith.constant 0 : i32
      %dma_start3A_19 = tpu.memref_slice %arg7[%dma_start3A, %dma_start3A_18] : memref<400x64xf32, #tpu.memory_space<vmem>> -> memref<80x64xf32, #tpu.memory_space<vmem>>
      %dma_start3A_20 = arith.constant 0 : i32
      %dma_start3A_21 = tpu.memref_slice %arg6[%dma_start3A_20] : memref<400xi32, #tpu.memory_space<vmem>> -> memref<80xi32, #tpu.memory_space<vmem>>
      %dma_start3A_22 = arith.constant 0 : i32
      %dma_start3A_23 = arith.constant 0 : i32
      %dma_start3A_24 = tpu.memref_slice %arg3[%dma_start3A_22, %dma_start3A_23] : memref<1015808x64xf32, #tpu.memory_space<hbm>> -> memref<1015808x64xf32, #tpu.memory_space<hbm>>
      tpu.enqueue_indirect_dma source(%dma_start3A_24 : memref<1015808x64xf32, #tpu.memory_space<hbm>>) target(%dma_start3A_19 : memref<80x64xf32, #tpu.memory_space<vmem>>) offsets(%dma_start3A_21 : memref<80xi32, #tpu.memory_space<vmem>>) semaphore(%arg10 : memref<!tpu.dma_semaphore, #tpu.memory_space<semaphore_mem>>)
      %dma_start3A_25 = arith.constant 80 : i32
      %dma_start3A_26 = arith.constant 0 : i32
      %dma_start3A_27 = tpu.memref_slice %arg7[%dma_start3A_25, %dma_start3A_26] : memref<400x64xf32, #tpu.memory_space<vmem>> -> memref<80x64xf32, #tpu.memory_space<vmem>>
      %dma_start3A_28 = arith.constant 80 : i32
      %dma_start3A_29 = tpu.memref_slice %arg6[%dma_start3A_28] : memref<400xi32, #tpu.memory_space<vmem>> -> memref<80xi32, #tpu.memory_space<vmem>>
      %dma_start3A_30 = arith.constant 0 : i32
      %dma_start3A_31 = arith.constant 0 : i32
      %dma_start3A_32 = tpu.memref_slice %arg3[%dma_start3A_30, %dma_start3A_31] : memref<1015808x64xf32, #tpu.memory_space<hbm>> -> memref<1015808x64xf32, #tpu.memory_space<hbm>>
      tpu.enqueue_indirect_dma source(%dma_start3A_32 : memref<1015808x64xf32, #tpu.memory_space<hbm>>) target(%dma_start3A_27 : memref<80x64xf32, #tpu.memory_space<vmem>>) offsets(%dma_start3A_29 : memref<80xi32, #tpu.memory_space<vmem>>) semaphore(%arg10 : memref<!tpu.dma_semaphore, #tpu.memory_space<semaphore_mem>>)
      %dma_start3A_33 = arith.constant 160 : i32
      %dma_start3A_34 = arith.constant 0 : i32
      %dma_start3A_35 = tpu.memref_slice %arg7[%dma_start3A_33, %dma_start3A_34] : memref<400x64xf32, #tpu.memory_space<vmem>> -> memref<80x64xf32, #tpu.memory_space<vmem>>
      %dma_start3A_36 = arith.constant 160 : i32
      %dma_start3A_37 = tpu.memref_slice %arg6[%dma_start3A_36] : memref<400xi32, #tpu.memory_space<vmem>> -> memref<80xi32, #tpu.memory_space<vmem>>
      %dma_start3A_38 = arith.constant 0 : i32
      %dma_start3A_39 = arith.constant 0 : i32
      %dma_start3A_40 = tpu.memref_slice %arg3[%dma_start3A_38, %dma_start3A_39] : memref<1015808x64xf32, #tpu.memory_space<hbm>> -> memref<1015808x64xf32, #tpu.memory_space<hbm>>
      tpu.enqueue_indirect_dma source(%dma_start3A_40 : memref<1015808x64xf32, #tpu.memory_space<hbm>>) target(%dma_start3A_35 : memref<80x64xf32, #tpu.memory_space<vmem>>) offsets(%dma_start3A_37 : memref<80xi32, #tpu.memory_space<vmem>>) semaphore(%arg10 : memref<!tpu.dma_semaphore, #tpu.memory_space<semaphore_mem>>)
      %dma_start3A_41 = arith.constant 240 : i32
      %dma_start3A_42 = arith.constant 0 : i32
      %dma_start3A_43 = tpu.memref_slice %arg7[%dma_start3A_41, %dma_start3A_42] : memref<400x64xf32, #tpu.memory_space<vmem>> -> memref<80x64xf32, #tpu.memory_space<vmem>>
      %dma_start3A_44 = arith.constant 240 : i32
      %dma_start3A_45 = tpu.memref_slice %arg6[%dma_start3A_44] : memref<400xi32, #tpu.memory_space<vmem>> -> memref<80xi32, #tpu.memory_space<vmem>>
      %dma_start3A_46 = arith.constant 0 : i32
      %dma_start3A_47 = arith.constant 0 : i32
      %dma_start3A_48 = tpu.memref_slice %arg3[%dma_start3A_46, %dma_start3A_47] : memref<1015808x64xf32, #tpu.memory_space<hbm>> -> memref<1015808x64xf32, #tpu.memory_space<hbm>>
      tpu.enqueue_indirect_dma source(%dma_start3A_48 : memref<1015808x64xf32, #tpu.memory_space<hbm>>) target(%dma_start3A_43 : memref<80x64xf32, #tpu.memory_space<vmem>>) offsets(%dma_start3A_45 : memref<80xi32, #tpu.memory_space<vmem>>) semaphore(%arg10 : memref<!tpu.dma_semaphore, #tpu.memory_space<semaphore_mem>>)
      %dma_start3A_49 = arith.constant 320 : i32
      %dma_start3A_50 = arith.constant 0 : i32
      %dma_start3A_51 = tpu.memref_slice %arg7[%dma_start3A_49, %dma_start3A_50] : memref<400x64xf32, #tpu.memory_space<vmem>> -> memref<80x64xf32, #tpu.memory_space<vmem>>
      %dma_start3A_52 = arith.constant 320 : i32
      %dma_start3A_53 = tpu.memref_slice %arg6[%dma_start3A_52] : memref<400xi32, #tpu.memory_space<vmem>> -> memref<80xi32, #tpu.memory_space<vmem>>
      %dma_start3A_54 = arith.constant 0 : i32
      %dma_start3A_55 = arith.constant 0 : i32
      %dma_start3A_56 = tpu.memref_slice %arg3[%dma_start3A_54, %dma_start3A_55] : memref<1015808x64xf32, #tpu.memory_space<hbm>> -> memref<1015808x64xf32, #tpu.memory_space<hbm>>
      tpu.enqueue_indirect_dma source(%dma_start3A_56 : memref<1015808x64xf32, #tpu.memory_space<hbm>>) target(%dma_start3A_51 : memref<80x64xf32, #tpu.memory_space<vmem>>) offsets(%dma_start3A_53 : memref<80xi32, #tpu.memory_space<vmem>>) semaphore(%arg10 : memref<!tpu.dma_semaphore, #tpu.memory_space<semaphore_mem>>)
      %dma_wait3A = arith.constant 0 : i32
      %dma_wait3A_57 = arith.constant 0 : i32
      %dma_wait3A_58 = tpu.memref_slice %arg7[%dma_wait3A, %dma_wait3A_57] : memref<400x64xf32, #tpu.memory_space<vmem>> -> memref<80x64xf32, #tpu.memory_space<vmem>>
      %dma_wait3A_59 = arith.constant 0 : i32
      %dma_wait3A_60 = tpu.memref_slice %arg6[%dma_wait3A_59] : memref<400xi32, #tpu.memory_space<vmem>> -> memref<80xi32, #tpu.memory_space<vmem>>
      %dma_wait3A_61 = arith.constant 0 : i32
      %dma_wait3A_62 = arith.constant 0 : i32
      %dma_wait3A_63 = tpu.memref_slice %arg3[%dma_wait3A_61, %dma_wait3A_62] : memref<1015808x64xf32, #tpu.memory_space<hbm>> -> memref<1015808x64xf32, #tpu.memory_space<hbm>>
      tpu.wait_indirect_dma semaphore(%arg10 : memref<!tpu.dma_semaphore, #tpu.memory_space<semaphore_mem>>) src(%dma_wait3A_63 : memref<1015808x64xf32, #tpu.memory_space<hbm>>) dst(%dma_wait3A_58 : memref<80x64xf32, #tpu.memory_space<vmem>>)
      %dma_wait3A_64 = arith.constant 80 : i32
      %dma_wait3A_65 = arith.constant 0 : i32
      %dma_wait3A_66 = tpu.memref_slice %arg7[%dma_wait3A_64, %dma_wait3A_65] : memref<400x64xf32, #tpu.memory_space<vmem>> -> memref<80x64xf32, #tpu.memory_space<vmem>>
      %dma_wait3A_67 = arith.constant 80 : i32
      %dma_wait3A_68 = tpu.memref_slice %arg6[%dma_wait3A_67] : memref<400xi32, #tpu.memory_space<vmem>> -> memref<80xi32, #tpu.memory_space<vmem>>
      %dma_wait3A_69 = arith.constant 0 : i32
      %dma_wait3A_70 = arith.constant 0 : i32
      %dma_wait3A_71 = tpu.memref_slice %arg3[%dma_wait3A_69, %dma_wait3A_70] : memref<1015808x64xf32, #tpu.memory_space<hbm>> -> memref<1015808x64xf32, #tpu.memory_space<hbm>>
      tpu.wait_indirect_dma semaphore(%arg10 : memref<!tpu.dma_semaphore, #tpu.memory_space<semaphore_mem>>) src(%dma_wait3A_71 : memref<1015808x64xf32, #tpu.memory_space<hbm>>) dst(%dma_wait3A_66 : memref<80x64xf32, #tpu.memory_space<vmem>>)
      %dma_wait3A_72 = arith.constant 160 : i32
      %dma_wait3A_73 = arith.constant 0 : i32
      %dma_wait3A_74 = tpu.memref_slice %arg7[%dma_wait3A_72, %dma_wait3A_73] : memref<400x64xf32, #tpu.memory_space<vmem>> -> memref<80x64xf32, #tpu.memory_space<vmem>>
      %dma_wait3A_75 = arith.constant 160 : i32
      %dma_wait3A_76 = tpu.memref_slice %arg6[%dma_wait3A_75] : memref<400xi32, #tpu.memory_space<vmem>> -> memref<80xi32, #tpu.memory_space<vmem>>
      %dma_wait3A_77 = arith.constant 0 : i32
      %dma_wait3A_78 = arith.constant 0 : i32
      %dma_wait3A_79 = tpu.memref_slice %arg3[%dma_wait3A_77, %dma_wait3A_78] : memref<1015808x64xf32, #tpu.memory_space<hbm>> -> memref<1015808x64xf32, #tpu.memory_space<hbm>>
      tpu.wait_indirect_dma semaphore(%arg10 : memref<!tpu.dma_semaphore, #tpu.memory_space<semaphore_mem>>) src(%dma_wait3A_79 : memref<1015808x64xf32, #tpu.memory_space<hbm>>) dst(%dma_wait3A_74 : memref<80x64xf32, #tpu.memory_space<vmem>>)
      %dma_wait3A_80 = arith.constant 240 : i32
      %dma_wait3A_81 = arith.constant 0 : i32
      %dma_wait3A_82 = tpu.memref_slice %arg7[%dma_wait3A_80, %dma_wait3A_81] : memref<400x64xf32, #tpu.memory_space<vmem>> -> memref<80x64xf32, #tpu.memory_space<vmem>>
      %dma_wait3A_83 = arith.constant 240 : i32
      %dma_wait3A_84 = tpu.memref_slice %arg6[%dma_wait3A_83] : memref<400xi32, #tpu.memory_space<vmem>> -> memref<80xi32, #tpu.memory_space<vmem>>
      %dma_wait3A_85 = arith.constant 0 : i32
      %dma_wait3A_86 = arith.constant 0 : i32
      %dma_wait3A_87 = tpu.memref_slice %arg3[%dma_wait3A_85, %dma_wait3A_86] : memref<1015808x64xf32, #tpu.memory_space<hbm>> -> memref<1015808x64xf32, #tpu.memory_space<hbm>>
      tpu.wait_indirect_dma semaphore(%arg10 : memref<!tpu.dma_semaphore, #tpu.memory_space<semaphore_mem>>) src(%dma_wait3A_87 : memref<1015808x64xf32, #tpu.memory_space<hbm>>) dst(%dma_wait3A_82 : memref<80x64xf32, #tpu.memory_space<vmem>>)
      %dma_wait3A_88 = arith.constant 320 : i32
      %dma_wait3A_89 = arith.constant 0 : i32
      %dma_wait3A_90 = tpu.memref_slice %arg7[%dma_wait3A_88, %dma_wait3A_89] : memref<400x64xf32, #tpu.memory_space<vmem>> -> memref<80x64xf32, #tpu.memory_space<vmem>>
      %dma_wait3A_91 = arith.constant 320 : i32
      %dma_wait3A_92 = tpu.memref_slice %arg6[%dma_wait3A_91] : memref<400xi32, #tpu.memory_space<vmem>> -> memref<80xi32, #tpu.memory_space<vmem>>
      %dma_wait3A_93 = arith.constant 0 : i32
      %dma_wait3A_94 = arith.constant 0 : i32
      %dma_wait3A_95 = tpu.memref_slice %arg3[%dma_wait3A_93, %dma_wait3A_94] : memref<1015808x64xf32, #tpu.memory_space<hbm>> -> memref<1015808x64xf32, #tpu.memory_space<hbm>>
      tpu.wait_indirect_dma semaphore(%arg10 : memref<!tpu.dma_semaphore, #tpu.memory_space<semaphore_mem>>) src(%dma_wait3A_95 : memref<1015808x64xf32, #tpu.memory_space<hbm>>) dst(%dma_wait3A_90 : memref<80x64xf32, #tpu.memory_space<vmem>>)
      %scan3A_96 = arith.constant 0 : i32
      %scan3A_97 = arith.constant 0 : i32
      %scan3A_98 = arith.constant 200 : i32
      %scan3A_99 = arith.addi %scan3A_97, %scan3A_98 : i32
      %scan3A_100 = arith.constant 1 : i32
      scf.for %scan3A_118 = %scan3A_97 to %scan3A_99 step %scan3A_100  : i32 {
        %get3A = arith.index_cast %scan3A_118 : i32 to index
        %get3A_119 = arith.constant 0 : index
        %get3A_120 = tpu.vector_load %arg9[%get3A, %get3A_119] {strides = array<i32>} : memref<200x64xf32, #tpu.memory_space<vmem>>, vector<1x16xf32>,
        %get3A_121 = vector.shape_cast %get3A_120 : vector<1x16xf32> to vector<16xf32>
        %add3A_122 = arith.constant 0 : i32
        %add3A_123 = arith.addi %add3A_122, %scan3A_118 : i32
        %get3A_124 = arith.index_cast %add3A_123 : i32 to index
        %get3A_125 = arith.constant 0 : index
        %get3A_126 = tpu.vector_load %arg7[%get3A_124, %get3A_125] {strides = array<i32>} : memref<400x64xf32, #tpu.memory_space<vmem>>, vector<1x16xf32>,
        %get3A_127 = vector.shape_cast %get3A_126 : vector<1x16xf32> to vector<16xf32>
        %add3A_128 = arith.addf %get3A_127, %get3A_121 : vector<16xf32>
        %shift_right_arithmetic3A = arith.constant 1 : i32
        %shift_right_arithmetic3A_129 = arith.shrsi %add3A_123, %shift_right_arithmetic3A : i32
        %and3A_130 = arith.constant 1 : i32
        %and3A_131 = arith.andi %add3A_123, %and3A_130 : i32
        %mul3A_132 = arith.constant 64 : i32
        %mul3A_133 = arith.muli %and3A_131, %mul3A_132 : i32
        %add3A_134 = arith.constant 0 : i32
        %add3A_135 = arith.addi %mul3A_133, %add3A_134 : i32
        %swap3A = arith.index_cast %shift_right_arithmetic3A_129 : i32 to index
        %swap3A_136 = arith.index_cast %add3A_135 : i32 to index
        %swap3A_137 = tpu.vector_load %arg8[%swap3A, %swap3A_136] {strides = array<i32>} : memref<200x128xf32, #tpu.memory_space<vmem>>, vector<1x16xf32>,
        %swap3A_138 = vector.shape_cast %swap3A_137 : vector<1x16xf32> to vector<16xf32>
        %swap3A_139 = vector.shape_cast %add3A_128 : vector<16xf32> to vector<1x16xf32>
        tpu.vector_store %arg8[%swap3A, %swap3A_136], %swap3A_139 {strides = array<i32>} : memref<200x128xf32, #tpu.memory_space<vmem>>, vector<1x16xf32>,
        %add3A_140 = arith.constant 200 : i32
        %add3A_141 = arith.addi %add3A_140, %scan3A_118 : i32
        %get3A_142 = arith.index_cast %add3A_141 : i32 to index
        %get3A_143 = arith.constant 0 : index
        %get3A_144 = tpu.vector_load %arg7[%get3A_142, %get3A_143] {strides = array<i32>} : memref<400x64xf32, #tpu.memory_space<vmem>>, vector<1x16xf32>,
        %get3A_145 = vector.shape_cast %get3A_144 : vector<1x16xf32> to vector<16xf32>
        %add3A_146 = arith.addf %get3A_145, %get3A_121 : vector<16xf32>
        %shift_right_arithmetic3A_147 = arith.constant 1 : i32
        %shift_right_arithmetic3A_148 = arith.shrsi %add3A_141, %shift_right_arithmetic3A_147 : i32
        %and3A_149 = arith.constant 1 : i32
        %and3A_150 = arith.andi %add3A_141, %and3A_149 : i32
        %mul3A_151 = arith.constant 64 : i32
        %mul3A_152 = arith.muli %and3A_150, %mul3A_151 : i32
        %add3A_153 = arith.constant 0 : i32
        %add3A_154 = arith.addi %mul3A_152, %add3A_153 : i32
        %swap3A_155 = arith.index_cast %shift_right_arithmetic3A_148 : i32 to index
        %swap3A_156 = arith.index_cast %add3A_154 : i32 to index
        %swap3A_157 = tpu.vector_load %arg8[%swap3A_155, %swap3A_156] {strides = array<i32>} : memref<200x128xf32, #tpu.memory_space<vmem>>, vector<1x16xf32>,
        %swap3A_158 = vector.shape_cast %swap3A_157 : vector<1x16xf32> to vector<16xf32>
        %swap3A_159 = vector.shape_cast %add3A_146 : vector<16xf32> to vector<1x16xf32>
        tpu.vector_store %arg8[%swap3A_155, %swap3A_156], %swap3A_159 {strides = array<i32>} : memref<200x128xf32, #tpu.memory_space<vmem>>, vector<1x16xf32>,
        %get3A_160 = arith.index_cast %scan3A_118 : i32 to index
        %get3A_161 = arith.constant 16 : index
        %get3A_162 = tpu.vector_load %arg9[%get3A_160, %get3A_161] {strides = array<i32>} : memref<200x64xf32, #tpu.memory_space<vmem>>, vector<1x16xf32>,
        %get3A_163 = vector.shape_cast %get3A_162 : vector<1x16xf32> to vector<16xf32>
        %add3A_164 = arith.constant 0 : i32
        %add3A_165 = arith.addi %add3A_164, %scan3A_118 : i32
        %get3A_166 = arith.index_cast %add3A_165 : i32 to index
        %get3A_167 = arith.constant 16 : index
        %get3A_168 = tpu.vector_load %arg7[%get3A_166, %get3A_167] {strides = array<i32>} : memref<400x64xf32, #tpu.memory_space<vmem>>, vector<1x16xf32>,
        %get3A_169 = vector.shape_cast %get3A_168 : vector<1x16xf32> to vector<16xf32>
        %add3A_170 = arith.addf %get3A_169, %get3A_163 : vector<16xf32>
        %shift_right_arithmetic3A_171 = arith.constant 1 : i32
        %shift_right_arithmetic3A_172 = arith.shrsi %add3A_165, %shift_right_arithmetic3A_171 : i32
        %and3A_173 = arith.constant 1 : i32
        %and3A_174 = arith.andi %add3A_165, %and3A_173 : i32
        %mul3A_175 = arith.constant 64 : i32
        %mul3A_176 = arith.muli %and3A_174, %mul3A_175 : i32
        %add3A_177 = arith.constant 16 : i32
        %add3A_178 = arith.addi %mul3A_176, %add3A_177 : i32
        %swap3A_179 = arith.index_cast %shift_right_arithmetic3A_172 : i32 to index
        %swap3A_180 = arith.index_cast %add3A_178 : i32 to index
        %swap3A_181 = tpu.vector_load %arg8[%swap3A_179, %swap3A_180] {strides = array<i32>} : memref<200x128xf32, #tpu.memory_space<vmem>>, vector<1x16xf32>,
        %swap3A_182 = vector.shape_cast %swap3A_181 : vector<1x16xf32> to vector<16xf32>
        %swap3A_183 = vector.shape_cast %add3A_170 : vector<16xf32> to vector<1x16xf32>
        tpu.vector_store %arg8[%swap3A_179, %swap3A_180], %swap3A_183 {strides = array<i32>} : memref<200x128xf32, #tpu.memory_space<vmem>>, vector<1x16xf32>,
        %add3A_184 = arith.constant 200 : i32
        %add3A_185 = arith.addi %add3A_184, %scan3A_118 : i32
        %get3A_186 = arith.index_cast %add3A_185 : i32 to index
        %get3A_187 = arith.constant 16 : index
        %get3A_188 = tpu.vector_load %arg7[%get3A_186, %get3A_187] {strides = array<i32>} : memref<400x64xf32, #tpu.memory_space<vmem>>, vector<1x16xf32>,
        %get3A_189 = vector.shape_cast %get3A_188 : vector<1x16xf32> to vector<16xf32>
        %add3A_190 = arith.addf %get3A_189, %get3A_163 : vector<16xf32>
        %shift_right_arithmetic3A_191 = arith.constant 1 : i32
        %shift_right_arithmetic3A_192 = arith.shrsi %add3A_185, %shift_right_arithmetic3A_191 : i32
        %and3A_193 = arith.constant 1 : i32
        %and3A_194 = arith.andi %add3A_185, %and3A_193 : i32
        %mul3A_195 = arith.constant 64 : i32
        %mul3A_196 = arith.muli %and3A_194, %mul3A_195 : i32
        %add3A_197 = arith.constant 16 : i32
        %add3A_198 = arith.addi %mul3A_196, %add3A_197 : i32
        %swap3A_199 = arith.index_cast %shift_right_arithmetic3A_192 : i32 to index
        %swap3A_200 = arith.index_cast %add3A_198 : i32 to index
        %swap3A_201 = tpu.vector_load %arg8[%swap3A_199, %swap3A_200] {strides = array<i32>} : memref<200x128xf32, #tpu.memory_space<vmem>>, vector<1x16xf32>,
        %swap3A_202 = vector.shape_cast %swap3A_201 : vector<1x16xf32> to vector<16xf32>
        %swap3A_203 = vector.shape_cast %add3A_190 : vector<16xf32> to vector<1x16xf32>
        tpu.vector_store %arg8[%swap3A_199, %swap3A_200], %swap3A_203 {strides = array<i32>} : memref<200x128xf32, #tpu.memory_space<vmem>>, vector<1x16xf32>,
        %get3A_204 = arith.index_cast %scan3A_118 : i32 to index
        %get3A_205 = arith.constant 32 : index
        %get3A_206 = tpu.vector_load %arg9[%get3A_204, %get3A_205] {strides = array<i32>} : memref<200x64xf32, #tpu.memory_space<vmem>>, vector<1x16xf32>,
        %get3A_207 = vector.shape_cast %get3A_206 : vector<1x16xf32> to vector<16xf32>
        %add3A_208 = arith.constant 0 : i32
        %add3A_209 = arith.addi %add3A_208, %scan3A_118 : i32
        %get3A_210 = arith.index_cast %add3A_209 : i32 to index
        %get3A_211 = arith.constant 32 : index
        %get3A_212 = tpu.vector_load %arg7[%get3A_210, %get3A_211] {strides = array<i32>} : memref<400x64xf32, #tpu.memory_space<vmem>>, vector<1x16xf32>,
        %get3A_213 = vector.shape_cast %get3A_212 : vector<1x16xf32> to vector<16xf32>
        %add3A_214 = arith.addf %get3A_213, %get3A_207 : vector<16xf32>
        %shift_right_arithmetic3A_215 = arith.constant 1 : i32
        %shift_right_arithmetic3A_216 = arith.shrsi %add3A_209, %shift_right_arithmetic3A_215 : i32
        %and3A_217 = arith.constant 1 : i32
        %and3A_218 = arith.andi %add3A_209, %and3A_217 : i32
        %mul3A_219 = arith.constant 64 : i32
        %mul3A_220 = arith.muli %and3A_218, %mul3A_219 : i32
        %add3A_221 = arith.constant 32 : i32
        %add3A_222 = arith.addi %mul3A_220, %add3A_221 : i32
        %swap3A_223 = arith.index_cast %shift_right_arithmetic3A_216 : i32 to index
        %swap3A_224 = arith.index_cast %add3A_222 : i32 to index
        %swap3A_225 = tpu.vector_load %arg8[%swap3A_223, %swap3A_224] {strides = array<i32>} : memref<200x128xf32, #tpu.memory_space<vmem>>, vector<1x16xf32>,
        %swap3A_226 = vector.shape_cast %swap3A_225 : vector<1x16xf32> to vector<16xf32>
        %swap3A_227 = vector.shape_cast %add3A_214 : vector<16xf32> to vector<1x16xf32>
        tpu.vector_store %arg8[%swap3A_223, %swap3A_224], %swap3A_227 {strides = array<i32>} : memref<200x128xf32, #tpu.memory_space<vmem>>, vector<1x16xf32>,
        %add3A_228 = arith.constant 200 : i32
        %add3A_229 = arith.addi %add3A_228, %scan3A_118 : i32
        %get3A_230 = arith.index_cast %add3A_229 : i32 to index
        %get3A_231 = arith.constant 32 : index
        %get3A_232 = tpu.vector_load %arg7[%get3A_230, %get3A_231] {strides = array<i32>} : memref<400x64xf32, #tpu.memory_space<vmem>>, vector<1x16xf32>,
        %get3A_233 = vector.shape_cast %get3A_232 : vector<1x16xf32> to vector<16xf32>
        %add3A_234 = arith.addf %get3A_233, %get3A_207 : vector<16xf32>
        %shift_right_arithmetic3A_235 = arith.constant 1 : i32
        %shift_right_arithmetic3A_236 = arith.shrsi %add3A_229, %shift_right_arithmetic3A_235 : i32
        %and3A_237 = arith.constant 1 : i32
        %and3A_238 = arith.andi %add3A_229, %and3A_237 : i32
        %mul3A_239 = arith.constant 64 : i32
        %mul3A_240 = arith.muli %and3A_238, %mul3A_239 : i32
        %add3A_241 = arith.constant 32 : i32
        %add3A_242 = arith.addi %mul3A_240, %add3A_241 : i32
        %swap3A_243 = arith.index_cast %shift_right_arithmetic3A_236 : i32 to index
        %swap3A_244 = arith.index_cast %add3A_242 : i32 to index
        %swap3A_245 = tpu.vector_load %arg8[%swap3A_243, %swap3A_244] {strides = array<i32>} : memref<200x128xf32, #tpu.memory_space<vmem>>, vector<1x16xf32>,
        %swap3A_246 = vector.shape_cast %swap3A_245 : vector<1x16xf32> to vector<16xf32>
        %swap3A_247 = vector.shape_cast %add3A_234 : vector<16xf32> to vector<1x16xf32>
        tpu.vector_store %arg8[%swap3A_243, %swap3A_244], %swap3A_247 {strides = array<i32>} : memref<200x128xf32, #tpu.memory_space<vmem>>, vector<1x16xf32>,
        %get3A_248 = arith.index_cast %scan3A_118 : i32 to index
        %get3A_249 = arith.constant 48 : index
        %get3A_250 = tpu.vector_load %arg9[%get3A_248, %get3A_249] {strides = array<i32>} : memref<200x64xf32, #tpu.memory_space<vmem>>, vector<1x16xf32>,
        %get3A_251 = vector.shape_cast %get3A_250 : vector<1x16xf32> to vector<16xf32>
        %add3A_252 = arith.constant 0 : i32
        %add3A_253 = arith.addi %add3A_252, %scan3A_118 : i32
        %get3A_254 = arith.index_cast %add3A_253 : i32 to index
        %get3A_255 = arith.constant 48 : index
        %get3A_256 = tpu.vector_load %arg7[%get3A_254, %get3A_255] {strides = array<i32>} : memref<400x64xf32, #tpu.memory_space<vmem>>, vector<1x16xf32>,
        %get3A_257 = vector.shape_cast %get3A_256 : vector<1x16xf32> to vector<16xf32>
        %add3A_258 = arith.addf %get3A_257, %get3A_251 : vector<16xf32>
        %shift_right_arithmetic3A_259 = arith.constant 1 : i32
        %shift_right_arithmetic3A_260 = arith.shrsi %add3A_253, %shift_right_arithmetic3A_259 : i32
        %and3A_261 = arith.constant 1 : i32
        %and3A_262 = arith.andi %add3A_253, %and3A_261 : i32
        %mul3A_263 = arith.constant 64 : i32
        %mul3A_264 = arith.muli %and3A_262, %mul3A_263 : i32
        %add3A_265 = arith.constant 48 : i32
        %add3A_266 = arith.addi %mul3A_264, %add3A_265 : i32
        %swap3A_267 = arith.index_cast %shift_right_arithmetic3A_260 : i32 to index
        %swap3A_268 = arith.index_cast %add3A_266 : i32 to index
        %swap3A_269 = tpu.vector_load %arg8[%swap3A_267, %swap3A_268] {strides = array<i32>} : memref<200x128xf32, #tpu.memory_space<vmem>>, vector<1x16xf32>,
        %swap3A_270 = vector.shape_cast %swap3A_269 : vector<1x16xf32> to vector<16xf32>
        %swap3A_271 = vector.shape_cast %add3A_258 : vector<16xf32> to vector<1x16xf32>
        tpu.vector_store %arg8[%swap3A_267, %swap3A_268], %swap3A_271 {strides = array<i32>} : memref<200x128xf32, #tpu.memory_space<vmem>>, vector<1x16xf32>,
        %add3A_272 = arith.constant 200 : i32
        %add3A_273 = arith.addi %add3A_272, %scan3A_118 : i32
        %get3A_274 = arith.index_cast %add3A_273 : i32 to index
        %get3A_275 = arith.constant 48 : index
        %get3A_276 = tpu.vector_load %arg7[%get3A_274, %get3A_275] {strides = array<i32>} : memref<400x64xf32, #tpu.memory_space<vmem>>, vector<1x16xf32>,
        %get3A_277 = vector.shape_cast %get3A_276 : vector<1x16xf32> to vector<16xf32>
        %add3A_278 = arith.addf %get3A_277, %get3A_251 : vector<16xf32>
        %shift_right_arithmetic3A_279 = arith.constant 1 : i32
        %shift_right_arithmetic3A_280 = arith.shrsi %add3A_273, %shift_right_arithmetic3A_279 : i32
        %and3A_281 = arith.constant 1 : i32
        %and3A_282 = arith.andi %add3A_273, %and3A_281 : i32
        %mul3A_283 = arith.constant 64 : i32
        %mul3A_284 = arith.muli %and3A_282, %mul3A_283 : i32
        %add3A_285 = arith.constant 48 : i32
        %add3A_286 = arith.addi %mul3A_284, %add3A_285 : i32
        %swap3A_287 = arith.index_cast %shift_right_arithmetic3A_280 : i32 to index
        %swap3A_288 = arith.index_cast %add3A_286 : i32 to index
        %swap3A_289 = tpu.vector_load %arg8[%swap3A_287, %swap3A_288] {strides = array<i32>} : memref<200x128xf32, #tpu.memory_space<vmem>>, vector<1x16xf32>,
        %swap3A_290 = vector.shape_cast %swap3A_289 : vector<1x16xf32> to vector<16xf32>
        %swap3A_291 = vector.shape_cast %add3A_278 : vector<16xf32> to vector<1x16xf32>
        tpu.vector_store %arg8[%swap3A_287, %swap3A_288], %swap3A_291 {strides = array<i32>} : memref<200x128xf32, #tpu.memory_space<vmem>>, vector<1x16xf32>,
      }
      %scan3A_101 = arith.constant 200 : i32
      %jit3A = arith.constant 2 : i32
      %div3A = arith.divsi %add3A_11, %jit3A : i32
      %sign3A = arith.constant 0 : i32
      %sign3A_102 = arith.cmpi sgt, %add3A_11, %sign3A : i32
      %sign3A_103 = arith.extui %sign3A_102 : i1 to i32
      %sign3A_104 = arith.constant 0 : i32
      %sign3A_105 = arith.cmpi slt, %add3A_11, %sign3A_104 : i32
      %sign3A_106 = arith.extui %sign3A_105 : i1 to i32
      %sign3A_107 = arith.subi %sign3A_103, %sign3A_106 : i32
      %sign3A_108 = arith.constant 0 : i32
      %sign3A_109 = arith.cmpi sgt, %jit3A, %sign3A_108 : i32
      %sign3A_110 = arith.extui %sign3A_109 : i1 to i32
      %sign3A_111 = arith.constant 0 : i32
      %sign3A_112 = arith.cmpi slt, %jit3A, %sign3A_111 : i32
      %sign3A_113 = arith.extui %sign3A_112 : i1 to i32
      %sign3A_114 = arith.subi %sign3A_110, %sign3A_113 : i32
      %ne3A = arith.cmpi ne, %sign3A_107, %sign3A_114 : i32
      %rem3A = arith.remsi %add3A_11, %jit3A : i32
      %ne3A_115 = arith.constant 0 : i32
      %ne3A_116 = arith.cmpi ne, %rem3A, %ne3A_115 : i32
      %and3A = arith.andi %ne3A, %ne3A_116 : i1
      %sub3A = arith.constant 1 : i32
      %sub3A_117 = arith.subi %div3A, %sub3A : i32
      %select_n3A = arith.select %and3A, %sub3A_117, %div3A : i32
      "tpu.region"() ({
        %run_scoped3A = tpu.sem_alloc : memref<!tpu.dma_semaphore, #tpu.memory_space<semaphore_mem>>
        %dma_start3A_118 = arith.constant 0 : i32
        %dma_start3A_119 = tpu.memref_slice %arg5[%select_n3A, %dma_start3A_118] : memref<102400x128xf32, #tpu.memory_space<hbm>> -> memref<200x128xf32, #tpu.memory_space<hbm>>
        %dma_start3A_120 = arith.constant 0 : i32
        %dma_start3A_121 = tpu.memref_slice %arg5[%select_n3A, %dma_start3A_120] : memref<102400x128xf32, #tpu.memory_space<hbm>> -> memref<200x128xf32, #tpu.memory_space<hbm>>
        tpu.enqueue_dma source(%arg8 : memref<200x128xf32, #tpu.memory_space<vmem>>) target(%dma_start3A_121 : memref<200x128xf32, #tpu.memory_space<hbm>>) target_semaphore(%run_scoped3A : memref<!tpu.dma_semaphore, #tpu.memory_space<semaphore_mem>>)
        %dma_wait3A_122 = arith.constant 0 : i32
        %dma_wait3A_123 = tpu.memref_slice %arg5[%select_n3A, %dma_wait3A_122] : memref<102400x128xf32, #tpu.memory_space<hbm>> -> memref<200x128xf32, #tpu.memory_space<hbm>>
        %dma_wait3A_124 = arith.constant 0 : i32
        %dma_wait3A_125 = tpu.memref_slice %arg5[%select_n3A, %dma_wait3A_124] : memref<102400x128xf32, #tpu.memory_space<hbm>> -> memref<200x128xf32, #tpu.memory_space<hbm>>
        tpu.wait_dma2 semaphore(%run_scoped3A : memref<!tpu.dma_semaphore, #tpu.memory_space<semaphore_mem>>) src(%arg8 : memref<200x128xf32, #tpu.memory_space<vmem>>) dst(%dma_wait3A_125 : memref<200x128xf32, #tpu.memory_space<hbm>>)
        tpu.yield
      }) : () -> ()
    }
    %scan3A_7 = arith.constant 16 : i32
    return
  }
}

module attributes {stable_mosaic.version = 14 : i64} {
  func.func @_transpose_body(%arg0: i32, %arg1: memref<64x8192xf32, #tpu.memory_space<vmem>>, %arg2: memref<64x8192xf32, #tpu.memory_space<vmem>>, %arg3: memref<8192x128xf32, #tpu.memory_space<vmem>>) attributes {dimension_semantics = [#tpu.dimension_semantics<arbitrary>], iteration_bounds = array<i64: 62>, scalar_prefetch = 0 : i64, scratch_operands = 0 : i64, tpu.core_type = #tpu.core_type<tc>, window_params = [{transform_indices = @transform_0, window_bounds = array<i64: 64, 8192>}, {transform_indices = @transform_1, window_bounds = array<i64: 64, 8192>}, {transform_indices = @transform_2, window_bounds = array<i64: 8192, 128>}]} {
    %get3A = arith.constant 0 : index
    %get3A_0 = arith.constant 0 : index
    %get3A_1 = vector.load %arg1[%get3A, %get3A_0] : memref<64x8192xf32, #tpu.memory_space<vmem>>, vector<64x8192xf32>
    %transpose3A = tpu.transpose %get3A_1, [1, 0] : vector<64x8192xf32> -> vector<8192x64xf32>
    %swap3A = arith.constant 0 : index
    %swap3A_2 = arith.constant 0 : index
    %swap3A_3 = vector.load %arg3[%swap3A, %swap3A_2] : memref<8192x128xf32, #tpu.memory_space<vmem>>, vector<8192x64xf32>
    tpu.vector_store %arg3[%swap3A, %swap3A_2], %transpose3A {strides = array<i32>} : memref<8192x128xf32, #tpu.memory_space<vmem>>, vector<8192x64xf32>,
    %get3A_4 = arith.constant 0 : index
    %get3A_5 = arith.constant 0 : index
    %get3A_6 = vector.load %arg2[%get3A_4, %get3A_5] : memref<64x8192xf32, #tpu.memory_space<vmem>>, vector<64x8192xf32>
    %transpose3A_7 = tpu.transpose %get3A_6, [1, 0] : vector<64x8192xf32> -> vector<8192x64xf32>
    %swap3A_8 = arith.constant 0 : index
    %swap3A_9 = arith.constant 64 : index
    %swap3A_10 = vector.load %arg3[%swap3A_8, %swap3A_9] : memref<8192x128xf32, #tpu.memory_space<vmem>>, vector<8192x64xf32>
    tpu.vector_store %arg3[%swap3A_8, %swap3A_9], %transpose3A_7 {strides = array<i32>} : memref<8192x128xf32, #tpu.memory_space<vmem>>, vector<8192x64xf32>,
    return
  }
  func.func @transform_0(%arg0: i32) -> (i32, i32) {
    %mul3A = arith.constant 2 : i32
    %mul3A_0 = arith.muli %mul3A, %arg0 : i32
    %c0_i32 = arith.constant 0 : i32
    %c0_i32_1 = arith.constant 0 : i32
    return %c0_i32, %mul3A_0 : i32, i32
  }
  func.func @transform_1(%arg0: i32) -> (i32, i32) {
    %mul3A = arith.constant 2 : i32
    %mul3A_0 = arith.muli %mul3A, %arg0 : i32
    %add3A = arith.constant 1 : i32
    %add3A_1 = arith.addi %mul3A_0, %add3A : i32
    %min3A = arith.constant 122 : i32
    %min3A_2 = arith.minsi %add3A_1, %min3A : i32
    %c0_i32 = arith.constant 0 : i32
    %c0_i32_3 = arith.constant 0 : i32
    return %c0_i32, %min3A_2 : i32, i32
  }
  func.func @transform_2(%arg0: i32) -> (i32, i32) {
    %c0_i32 = arith.constant 0 : i32
    %c0_i32_0 = arith.constant 0 : i32
    return %arg0, %c0_i32 : i32, i32
  }
}

module attributes {stable_mosaic.version = 14 : i64} {
  func.func @_mask_body(%arg0: memref<1024x200xi32, #tpu.memory_space<vmem>>, %arg1: memref<1024x200xi32, #tpu.memory_space<vmem>>) attributes {dimension_semantics = [], scalar_prefetch = 0 : i64, scratch_operands = 0 : i64, tpu.core_type = #tpu.core_type<tc>} {
    %get3A = arith.constant 0 : index
    %get3A_0 = arith.constant 0 : index
    %get3A_1 = vector.load %arg0[%get3A, %get3A_0] : memref<1024x200xi32, #tpu.memory_space<vmem>>, vector<1024x200xi32>
    %eq3A = arith.constant 0 : i32
    %eq3A_2 = vector.broadcast %eq3A : i32 to vector<1024x200xi32>
    %eq3A_3 = arith.cmpi eq, %get3A_1, %eq3A_2 : vector<1024x200xi32>
    %swap3A = arith.constant 0 : index
    %swap3A_4 = arith.constant 0 : index
    %swap3A_5 = vector.load %arg1[%swap3A, %swap3A_4] : memref<1024x200xi32, #tpu.memory_space<vmem>>, vector<1024x200xi32>
    %swap3A_6 = arith.extui %eq3A_3 : vector<1024x200xi1> to vector<1024x200xi32>
    %swap3A_7 = arith.constant dense<0> : vector<1024x200xi32>
    %swap3A_8 = arith.cmpi ne, %swap3A_5, %swap3A_7 : vector<1024x200xi32>
    tpu.vector_store %arg1[%swap3A, %swap3A_4], %swap3A_6 {strides = array<i32>} : memref<1024x200xi32, #tpu.memory_space<vmem>>, vector<1024x200xi32>,
    return
  }
}

</mosaic_0001>

<sc_bundles>
// kernel: kernel.5.cloned.1.call-start
scs
__scs_entry_jumppad:
0x0: {  	(pc) =	sbr.rel $0x88, $3  }
0x1: {  	(tag) =	ssettag $0x0;
	lr =	simm.s32 $0x1  }
0x2: {  	[smem:$0x3F9E] =	sst lr;
	_ =	strace $0xD0000000  }
0x3: {  	_ = 	snop  }
0x4: {  	_ = 	snop  }
0x5: {  	_ = 	snop  }
0x6: {  	_ = 	snop  }
0x7: {  	_ = 	snop  }
__scs_overlays_trampoline_lowered:
0x8: {  	[smem:$0x3FAD] =	sst s0  }
0x9: {  	[smem:$0x3FAE] =	sst s1  }
0xa: {  	[smem:$0x3FAF] =	sst s2  }
0xb: {  	[smem:$0x3FB0] =	sst s3  }
0xc: {  	[smem:$0x3FB1] =	sst s4  }
0xd: {  	[smem:$0x3FB2] =	sst s5  }
0xe: {  	[smem:$0x3FB3] =	sst s6  }
0xf: {  	[smem:$0x3FB4] =	sst s7  }
0x10: {  	[smem:$0x3FB5] =	sst s8  }
0x11: {  	[smem:$0x3FB6] =	sst s9;
	s0 =	simm.s32 @!p0 $0x0  }
0x12: {  	s1 =	sld [smem:$0x3F9C];
	s0 =	simm.s32 @p0 $0x1  }
0x13: {  	[smem:$0x3FB7] =	sst s0;
	s0 =	simm.s32 @!p1 $0x0  }
0x14: {  	s2 =	sld [smem:$0x3F9B];
	s0 =	simm.s32 @p1 $0x1  }
0x15: {  	[smem:$0x3FB8] =	sst s0;
	s0 =	simm.s32 @!p2 $0x0  }
0x16: {  	s3 =	sld [smem:$0x3FDB];
	s0 =	simm.s32 @p2 $0x1  }
0x17: {  	s4 =	simm.s32 $0x1BF5;
	[smem:$0x3FBA] =	sst s0  }
0x18: {  	s0 =	sld [smem:$0x3F9D];
	_ =	swait.ge [sflag:s4], $0x0  }
0x19: {  	s7 =	sld [smem:$0x3F9E]  }
0x1a: {  	s8 =	sadd.s32 $0xFFFFE003, lr  }
0x1b: {  	s9 =	sadd.s32 $0xFFFFFEF7, lr;
	s5 =	simm.s32 $0xFFFFFFFF;
	p2 =	slt.u32 s8, $0xFFFFF086  }
0x1c: {  	p1 =	slt.u32 s9, $0xF7A;
	s5 =	simm.s32 @!p2 $0x0  }
0x1d: {  	s5 =	simm.s32 @p1 $0x1;
	p0 =	seq.s32 s7, s2  }
0x1e: {  	s7 =	smul.u32 @!p0 $0xF7A, s2;
	p2 =	seq.s32 @!p0 s5, $0x0  }
0x1f: {  	s9 =	smul.u32 $0xF7A, s1;
	s8 =	simm.s32 @!p0 $0x1BF5;
	p2 =	por !p2, p0  }
0x20: {  	[sflag:s8] =	ssyncset.s32 @!p0 $0xFFFFF086;
	s6 =	sadd.s32 @!p0 s3, s7;
	s7 =	simm.s32 @!p0 $0x108  }
0x21: {  	s3 =	sadd.s32 s3, s9;
	s6 =	sadd.s32 @!p0 $0x88, s6;
	s7 =	simm.s32 @p2 $0x1082  }
0x22: {  	[simem:s7], [sflag:s8] =	dma.local @!p0 [hbm:s6], $0xF7A  }
0x23: {  	s9 =	sor.u32 $0xD0000000, s2;
	s6 =	simm.s32 $0x108;
	_ =	swait.ge @!p0 [sflag:s8], $0x0  }
0x24: {  	s3 =	sadd.s32 $0x88, s3;
	s6 =	simm.s32 @!p1 $0x1082;
	[sflag:s4] =	ssyncset.s32 $0xFFFFF086  }
0x25: {  	[simem:s6], [sflag:s4] =	dma.local [hbm:s3], $0xF7A  }
0x26: {  	[smem:$0x3F9E] =	sst s1;
	(tag) =	ssettag s2;
	_ =	strace s9  }
0x27: {  	s1 =	sld [smem:$0x3FAE]  }
0x28: {  	s2 =	sld [smem:$0x3FAF]  }
0x29: {  	s4 =	sld [smem:$0x3FB1]  }
0x2a: {  	p0 =	seq.s32 s5, $0x0;
	s5 =	sld [smem:$0x3FB2]  }
0x2b: {  	s6 =	sld [smem:$0x3FB3]  }
0x2c: {  	s7 =	sld [smem:$0x3FB4]  }
0x2d: {  	s3 =	simm.s32 $0x108;
	s8 =	sld [smem:$0x3FB5]  }
0x2e: {  	s3 =	simm.s32 @!p0 $0x1082;
	s9 =	sld [smem:$0x3FB6]  }
0x2f: {  	lr =	sadd.s32 s0, s3;
	s0 =	sld [smem:$0x3FAD]  }
0x30: {  	s3 =	sld [smem:$0x3FB0]  }
0x31: {  	[smem:$0x3FB9] =	sst s10  }
0x32: {  	s10 =	sld [smem:$0x3FB7];
	_ =	sdelay $0x3  }
0x33: {  	p0 =	seq.s32 s10, $0x1;
	s10 =	sld [smem:$0x3FB9];
	_ =	sdelay $0x3  }
0x34: {  	[smem:$0x3FB9] =	sst s10  }
0x35: {  	s10 =	sld [smem:$0x3FB8];
	_ =	sdelay $0x3  }
0x36: {  	p1 =	seq.s32 s10, $0x1;
	s10 =	sld [smem:$0x3FB9];
	_ =	sdelay $0x3  }
0x37: {  	[smem:$0x3FB9] =	sst s10  }
0x38: {  	s10 =	sld [smem:$0x3FBA]  }
0x39: {  	_ = 	snop;
	(pc) =	sbr.ind lr, $3  }
0x3a: {  	_ = 	snop  }
0x3b: {  	_ = 	snop  }
0x3c: {  	p2 =	seq.s32 s10, $0x1;
	s10 =	sld [smem:$0x3FB9]  }
0x3d: {  	_ =	shalt  }
0x3e: {  	_ =	shalt  }
0x3f: {  	_ =	shalt  }
0x40: {  	_ =	shalt  }
0x41: {  	_ =	shalt  }
0x42: {  	_ =	shalt  }
0x43: {  	_ =	shalt  }
0x44: {  	_ =	shalt  }
0x45: {  	_ =	shalt  }
0x46: {  	_ =	shalt  }
0x47: {  	_ =	shalt  }
0x48: {  	_ =	shalt  }
0x49: {  	_ =	shalt  }
0x4a: {  	_ =	shalt  }
0x4b: {  	_ =	shalt  }
0x4c: {  	_ =	shalt  }
0x4d: {  	_ =	shalt  }
0x4e: {  	_ =	shalt  }
0x4f: {  	_ =	shalt  }
0x50: {  	_ =	shalt  }
0x51: {  	_ =	shalt  }
0x52: {  	_ =	shalt  }
0x53: {  	_ =	shalt  }
0x54: {  	_ =	shalt  }
0x55: {  	_ =	shalt  }
0x56: {  	_ =	shalt  }
0x57: {  	_ =	shalt  }
0x58: {  	_ =	shalt  }
0x59: {  	_ =	shalt  }
0x5a: {  	_ =	shalt  }
0x5b: {  	_ =	shalt  }
0x5c: {  	_ =	shalt  }
0x5d: {  	_ =	shalt  }
0x5e: {  	_ =	shalt  }
0x5f: {  	_ =	shalt  }
0x60: {  	_ =	shalt  }
0x61: {  	_ =	shalt  }
0x62: {  	_ =	shalt  }
0x63: {  	_ =	shalt  }
0x64: {  	_ =	shalt  }
0x65: {  	_ =	shalt  }
0x66: {  	_ =	shalt  }
0x67: {  	_ =	shalt  }
0x68: {  	_ =	shalt  }
0x69: {  	_ =	shalt  }
0x6a: {  	_ =	shalt  }
0x6b: {  	_ =	shalt  }
0x6c: {  	_ =	shalt  }
0x6d: {  	_ =	shalt  }
0x6e: {  	_ =	shalt  }
0x6f: {  	_ =	shalt  }
0x70: {  	_ =	shalt  }
0x71: {  	_ =	shalt  }
0x72: {  	_ =	shalt  }
0x73: {  	_ =	shalt  }
0x74: {  	_ =	shalt  }
0x75: {  	_ =	shalt  }
0x76: {  	_ =	shalt  }
0x77: {  	_ =	shalt  }
0x78: {  	_ =	shalt  }
0x79: {  	_ =	shalt  }
0x7a: {  	_ =	shalt  }
0x7b: {  	_ =	shalt  }
0x7c: {  	_ =	shalt  }
0x7d: {  	_ =	shalt  }
0x7e: {  	_ =	shalt  }
0x7f: {  	_ =	shalt  }
0x80: {  	_ =	shalt  }
0x81: {  	_ =	shalt  }
0x82: {  	_ =	shalt  }
0x83: {  	_ =	shalt  }
0x84: {  	_ =	shalt  }
0x85: {  	_ =	shalt  }
0x86: {  	_ =	shalt  }
0x87: {  	_ =	shalt  }
.Lfunc_end0:
.L_simem_size_0:
called_computation.1_lowered:
.L_overlay_start_0:
0x88: {  	s2 =	sld [smem:$0x3FD9]  }
0x89: {  	s3 =	sld [smem:$0x3FFE];
	_ =	sdelay $0x1  }
0x8a: {  	s1 =	srdreg.scid  }
0x8b: {  	s0 =	sand.u32 $0x1, s1  }
0x8c: {  	s14 =	sshll.u32 s0, $0xA;
	s2 =	sadd.s32 s3, s2  }
0x8d: {  	s2 =	sadd.s32 s2, s14  }
0x8e: {  	[smem:$0x3FC5] =	sst s2  }
0x8f: {  	_ = 	snop  }
0x90: {  	s2 =	sld [smem:$0x3FD0];
	_ =	sdelay $0x2  }
0x91: {  	s15 =	simm.s32 $0xA;
	s4 =	simm.s32 $0x10  }
0x92: {  	[smem:s4], [sflag:s15] =	dma.local [hbm:s2], $0x1  }
0x93: {  	_ =	swait.eq [sflag:s15], $0x1  }
0x94: {  	[sflag:s15] =	ssyncset.done $0x0  }
0x95: {  	s16 =	sld [smem:$0x10];
	[sflag:s15] =	ssyncadd.s32 $0xFFFFFFFF  }
0x96: {  	s17 =	sld [smem:$0x11];
	(tm) =	ssettm $0x1  }
0x97: {  	s18 =	sld [smem:$0x3FFB];
	_ =	sdelay $0x3  }
0x98: {  	_ =	strace s18  }
0x99: {  	s4 =	sld [smem:$0x3FFC];
	_ =	sdelay $0x3  }
0x9a: {  	_ =	strace s4  }
0x9b: {  	s4 =	sld [smem:$0x3FFD];
	_ =	sdelay $0x3  }
0x9c: {  	_ =	strace s4  }
0x9d: {  	_ =	strace $0x8FFFFFFF  }
0x9e: {  	s19 =	sld [smem:$0x3FDB];
	_ =	sdelay $0x1  }
0x9f: {  	s5 =	simm.s32 $_scs_section_size  }
0xa0: {  	s6 =	simm.s32 $_size__tile_overlayer_lowered;
	s7 =	simm.s32 $_tile_overlayer_lowered  }
0xa1: {  	s22 =	simm.s32 $0x1BFF;
	s21 =	sshll.u32 s7, $0x1;
	s4 =	sadd.s32 s5, s19  }
0xa2: {  	s8 =	simm.s32 $0x0;
	s20 =	sshll.u32 s6, $0x1;
	s6 =	sadd.s32 s21, s4  }
0xa3: {  	[timem:s8], [sflag:s22] =	dma.local [hbm:s6], s20  }
0xa4: {  	_ =	swait.ge [sflag:s22], s20  }
0xa5: {  	s5 =	ssub.s32 $0x0, s20;
	[sflag:s22] =	ssyncset.done $0x0  }
0xa6: {  	[sflag:s22] =	ssyncadd.s32 s5;
	_ =	sdelay $0x1  }
0xa7: {  	s23 =	simm.s32 $0x1B8B  }
0xa8: {  	_ =	swait.ge [sflag:s23], $0x1  }
0xa9: {  	[sflag:s23] =	ssyncset.done $0x0  }
0xaa: {  	s25 =	simm.s32 $0x1B8E;
	s24 =	sld [smem:$0x3FFE];
	[sflag:s23] =	ssyncadd.s32 $0xFFFFFFFF  }
0xab: {  	s26 =	simm.s32 $execute0_lowered;
	[smem:$0x3FD2] =	sst s25  }
0xac: {  	s6 =	sshll.u32 s26, $0x1;
	_ =	strace $0x80000046;
	[dreg:$0x1] =	wrdreg $0xFFFFFFFF  }
0xad: {  	s28 =	simm.s32 $_size_execute0_lowered;
	s4 =	sadd.s32 s4, s6;
	[dreg:$0x0] =	wrdreg $0x0  }
0xae: {  	s6 =	sshll.u32 s28, $0x1;
	[dreg:$0x2] =	wrdreg s4  }
0xaf: {  	[dreg:$0x3] =	wrdreg s6  }
0xb0: {  	[dreg:$0x4] =	wrdreg $0xC0  }
0xb1: {  	_ =	task [dreg:s8], $0x5FFFF  }
0xb2: {  	[dreg:$0x1] =	wrdreg $0xFFFFFFFF  }
0xb3: {  	[dreg:$0x0] =	wrdreg $0x60  }
0xb4: {  	[dreg:$0x2] =	wrdreg s24  }
0xb5: {  	[dreg:$0x3] =	wrdreg s17  }
0xb6: {  	[dreg:$0x4] =	wrdreg s16  }
0xb7: {  	[dreg:$0x5] =	wrdreg $0x9  }
0xb8: {  	_ =	task.clear_ibuf [dreg:s8], $0x6FFFF;
	_ =	strace $0x90000046  }
0xb9: {  	s29 =	simm.s32 $0x9;
	_ =	strace $0x80000048  }
0xba: {  	_ =	swait.ge [sflag:s29], $0x1  }
0xbb: {  	[sflag:s29] =	ssyncadd.s32 $0xFFFFFFFF  }
0xbc: {  	_ =	strace $0x90000048  }
0xbd: {  	_ =	sfence  }
0xbe: {  	s30 =	sld [smem:$0x0];
	_ =	sdelay $0x2  }
0xbf: {  	s31 =	sshll.u32 s1, $0xD;
	s1 =	sshrl.u32 s1, $0x2  }
0xc0: {  	s3 =	sand.u32 $0x4000, s31;
	s1 =	sadd.s32 s1, s30  }
0xc1: {  	s0 =	sor.u32 s3, s0;
	s1 =	sshll.u32 s1, $0x11  }
0xc2: {  	s0 =	sor.u32 s1, s0  }
0xc3: {  	s0 =	sadd.s32 $0x8F2B, s0  }
0xc4: {  	[sflag:s0] =	ssyncadd.remote.s32 $0x1  }
0xc5: {  	_ =	sfence.sel $0xFFFF  }
0xc6: {  	[dreg:$0x0] =	wrdreg $0xFFFFFFFF;
	(pc) =	sbr.abs _section_cstart, $3  }
0xc7: {  	[dreg:$0x1] =	wrdreg $0xFFFFFFFF  }
0xc8: {  	_ =	task.clear_ibuf [dreg:s8], $0x2FFFF;
	_ =	strace $0x9FFFFFFF  }
0xc9: {  	(tm) =	ssettm $0x7FFFFFFF  }
tec
execute0_lowered:
.L_overlay_start_1:
0x0: {  	(tag) =	ssettag $0x1  }
0x1: {  	s6 =	rddreg [dreg:$0x0]  }
0x2: {  	s1 =	rddreg [dreg:$0x1]  }
0x3: {  	s2 =	rddreg [dreg:$0x2]  }
0x4: {  	s0 =	rddreg [dreg:$0x3];
	s4 =	simm.s32 $0x0;
	s5 =	srdreg.scid  }
0x5: {  	s3 =	stileid.u32;
	s11 =	simm.s32 $0x50;
	s12 =	simm.s32 $0x190  }
0x6: {  	s13 =	simm.s32 $0x1590;
	s14 =	simm.s32 $0xA0;
	s15 =	simm.s32 $0x2990  }
0x7: {  	s16 =	simm.s32 $0xF0;
	s17 =	simm.s32 $0x3D90;
	s18 =	simm.s32 $0x140  }
0x8: {  	s19 =	simm.s32 $0x5190;
	s20 =	simm.s32 $0x1;
	s21 =	simm.s32 $0x6590  }
0x9: {  	s22 =	simm.s32 $0x0;
	[smem:$0x7FF] =	sst s4;
	s7 =	sand.u32 $0x1, s5  }
0xa: {  	s9 =	sshll.u32 s3, $0x1;
	s5 =	sadd.s32 $0x8C00, s6;
	s8 =	ssub.s32 $0x2, s7  }
0xb: {  	s6 =	sadd.s32 $0xF000, s6;
	_ =	strace $0x80000047;
	s10 =	sshrl.u32 s8, $0x1  }
0xc: {  	s7 =	sor.u32 s7, s9;
	s9 =	simm.s32 $0xC990;
	s8 =	ssub.s32 s8, s10  }
0xd: {  	s7 =	smul.u32 $0x1900, s7;
	s10 =	simm.s32 $0x2;
	s8 =	smax.u32 s8, $0x1  }
.LBB2_1:
0xe: {  	[tilespmem:s9], [sflag:$0x2] =	stream.linear.gather [hbm4b:s1+s4], $0x3200, $0x38;
	[tilespmem:$0xFB90] =	vst v63  }
0xf: {  	_ =	swait.ge [sflag:s10], $0x3200  }
0x10: {  	[sflag:s10] =	ssyncset.done $0x0  }
0x11: {  	s23 =	simm.s32 $0x0;
	[sflag:s10] =	ssyncadd.s32 $0xFFFFCE00  }
.LBB2_2:
0x12: {  	s24 =	smul.u32 $0x190, s23;
	_ =	sdelay $0x1  }
0x13: {  	s24 =	sadd.s32 s7, s24  }
0x14: {  	s25 =	sshrl.u32 s24, $0x3  }
0x15: {  	s26 =	simm.s32 $0x0;
	s25 =	sadd.s32 s5, s25  }
0x16: {  	[tilespmem:s26], [sflag:$0x2] =	stream.linear.gather [hbm4b:s25+s26], $0x190, $0x38;
	[tilespmem:$0xFB90] =	vst v63  }
0x17: {  	_ =	swait.ge [sflag:s10], $0x190  }
0x18: {  	[sflag:s10] =	ssyncset.done $0x0  }
0x19: {  	s25 =	simm.s32 $0x0;
	s26 =	simm.s32 $0x40;
	[sflag:s10] =	ssyncadd.s32 $0xFFFFFE70  }
.LBB2_3:
0x1a: {  	p0 =	sne.s32 s26, $0x600;
	v0 =	vld [tilespmem:s25+$0x0];
	_ =	sdelay $0x4  }
.Ltmp0:
0x1b: {  	v1 =	vshll.u32 v0, $0x1;
	(pc) =	sbr.rel @p0 .LBB2_3-.Ltmp0, $4  }
0x1c: {  	v2 =	vand.u32 $0xFFFFC000, v0;
	v0 =	vshrl.u32 v0, $0xD;
	v1 =	vand.u32 $0x3FFE, v1  }
0x1d: {  	v0 =	vand.u32 $0x1, v0;
	v1 =	vor.u32 v2, v1  }
0x1e: {  	v0 =	vor.u32 v0, v1  }
0x1f: {  	[tilespmem:s25+$0x0] =	vst v0;
	s25 =	sshra.s32 s26, $0x2;
	s26 =	sadd.s32 $0x40, s26  }
0x20: {  	v0 =	vld [tilespmem:s25+$0x0];
	_ =	sdelay $0x4  }
0x21: {  	v1 =	vshll.u32 v0, $0x1  }
0x22: {  	v2 =	vand.u32 $0xFFFFC000, v0;
	v0 =	vshrl.u32 v0, $0xD;
	v1 =	vand.u32 $0x3FFE, v1  }
0x23: {  	v0 =	vand.u32 $0x1, v0;
	v1 =	vor.u32 v2, v1  }
0x24: {  	v0 =	vor.u32 v0, v1  }
0x25: {  	s28 =	simm.s32 $0x0;
	[tilespmem:s25+$0x0] =	vst v0  }
0x26: {  	[tilespmem:s12], [sflag:$0x1] =	stream.indirect.gather [hbm4b:s6+s11], $0x40, s28, s11, $0xb8;
	[tilespmem:$0xFB90] =	vst v63  }
0x27: {  	_ = 	snop  }
0x28: {  	[tilespmem:s13], [sflag:$0x1] =	stream.indirect.gather [hbm4b:s6+s11], $0x40, s11, s11, $0xb8;
	[tilespmem:$0xFB90] =	vst v63  }
0x29: {  	_ = 	snop  }
0x2a: {  	[tilespmem:s15], [sflag:$0x1] =	stream.indirect.gather [hbm4b:s6+s11], $0x40, s14, s11, $0xb8;
	[tilespmem:$0xFB90] =	vst v63  }
0x2b: {  	_ = 	snop  }
0x2c: {  	[tilespmem:s17], [sflag:$0x1] =	stream.indirect.gather [hbm4b:s6+s11], $0x40, s16, s11, $0xb8;
	[tilespmem:$0xFB90] =	vst v63  }
0x2d: {  	_ = 	snop  }
0x2e: {  	[tilespmem:s19], [sflag:$0x1] =	stream.indirect.gather [hbm4b:s6+s11], $0x40, s18, s11, $0xb8;
	[tilespmem:$0xFB90] =	vst v63  }
0x2f: {  	_ =	swait.ge [sflag:s20], $0x1400  }
0x30: {  	[sflag:s20] =	ssyncset.done $0x0  }
0x31: {  	[sflag:s20] =	ssyncadd.s32 $0xFFFFEC00  }
0x32: {  	_ =	swait.ge [sflag:s20], $0x1400  }
0x33: {  	[sflag:s20] =	ssyncset.done $0x0  }
0x34: {  	[sflag:s20] =	ssyncadd.s32 $0xFFFFEC00  }
0x35: {  	_ =	swait.ge [sflag:s20], $0x1400  }
0x36: {  	[sflag:s20] =	ssyncset.done $0x0  }
0x37: {  	[sflag:s20] =	ssyncadd.s32 $0xFFFFEC00  }
0x38: {  	_ =	swait.ge [sflag:s20], $0x1400  }
0x39: {  	[sflag:s20] =	ssyncset.done $0x0  }
0x3a: {  	[sflag:s20] =	ssyncadd.s32 $0xFFFFEC00  }
0x3b: {  	_ =	swait.ge [sflag:s20], $0x1400  }
0x3c: {  	[sflag:s20] =	ssyncset.done $0x0  }
0x3d: {  	s25 =	simm.s32 $0xC9B0;
	[sflag:s20] =	ssyncadd.s32 $0xFFFFEC00  }
0x3e: {  	s26 =	simm.s32 $0x33C0;
	v0 =	vld [tilespmem:s25+$0xFFFFFFE0]  }
0x3f: {  	v1 =	vld [tilespmem:s26+$0xFFFFCDD0];
	_ =	sdelay $0x4  }
0x40: {  	v1 =	vadd.f32 v1, v0  }
0x41: {  	s30 =	sand.u32 $0x3FC0, s28  }
0x42: {  	[tilespmem:s30+$0x6590] =	vst v1  }
0x43: {  	v1 =	vld [tilespmem:s26+$0xFFFFFFD0];
	_ =	sdelay $0x3  }
0x44: {  	s29 =	simm.s32 $0x3200  }
0x45: {  	s29 =	sand.u32 $0x7F80, s29;
	s28 =	sand.u32 $0x40, s28;
	v0 =	vadd.f32 v1, v0  }
0x46: {  	s29 =	sor.u32 s28, s29  }
0x47: {  	[tilespmem:s29+$0x6590] =	vst v0  }
0x48: {  	v0 =	vld [tilespmem:s25+$0xFFFFFFF0]  }
0x49: {  	v1 =	vld [tilespmem:s26+$0xFFFFCDE0];
	_ =	sdelay $0x4  }
0x4a: {  	v1 =	vadd.f32 v1, v0;
	_ =	sdelay $0x1  }
0x4b: {  	[tilespmem:s30+$0x65A0] =	vst v1  }
0x4c: {  	v1 =	vld [tilespmem:s26+$0xFFFFFFE0];
	_ =	sdelay $0x4  }
0x4d: {  	v0 =	vadd.f32 v1, v0;
	_ =	sdelay $0x1  }
0x4e: {  	[tilespmem:s29+$0x65A0] =	vst v0  }
0x4f: {  	v0 =	vld [tilespmem:s25+$0x0]  }
0x50: {  	v1 =	vld [tilespmem:s26+$0xFFFFCDF0];
	_ =	sdelay $0x4  }
0x51: {  	v1 =	vadd.f32 v1, v0;
	_ =	sdelay $0x1  }
0x52: {  	[tilespmem:s30+$0x65B0] =	vst v1  }
0x53: {  	v1 =	vld [tilespmem:s26+$0xFFFFFFF0];
	_ =	sdelay $0x4  }
0x54: {  	v0 =	vadd.f32 v1, v0;
	_ =	sdelay $0x1  }
0x55: {  	[tilespmem:s29+$0x65B0] =	vst v0  }
0x56: {  	v0 =	vld [tilespmem:s25+$0x10]  }
0x57: {  	v1 =	vld [tilespmem:s26+$0xFFFFCE00];
	_ =	sdelay $0x4  }
0x58: {  	v1 =	vadd.f32 v1, v0;
	_ =	sdelay $0x1  }
0x59: {  	[tilespmem:s30+$0x65C0] =	vst v1  }
0x5a: {  	s28 =	simm.s32 $0x40;
	v1 =	vld [tilespmem:s26+$0x0]  }
.LBB2_5:
0x5b: {  	_ =	sdelay $0x2  }
0x5c: {  	p0 =	sne.s32 s28, $0x31C0;
	s25 =	sadd.s32 $0x40, s25;
	s26 =	sadd.s32 $0x40, s26  }
0x5d: {  	s31 =	smov.u32 s28;
	s28 =	sadd.s32 $0x40, s28;
	v0 =	vadd.f32 v1, v0;
	_ =	sdelay $0x1  }
0x5e: {  	[tilespmem:s29+$0x65C0] =	vst v0  }
0x5f: {  	v0 =	vld [tilespmem:s25+$0xFFFFFFE0]  }
0x60: {  	v1 =	vld [tilespmem:s26+$0xFFFFCDD0];
	_ =	sdelay $0x4  }
0x61: {  	v1 =	vadd.f32 v1, v0  }
0x62: {  	s30 =	sand.u32 $0x3FC0, s31  }
0x63: {  	[tilespmem:s30+$0x6590] =	vst v1  }
0x64: {  	v1 =	vld [tilespmem:s26+$0xFFFFFFD0];
	_ =	sdelay $0x3  }
0x65: {  	s29 =	sadd.s32 $0x3200, s31  }
0x66: {  	s31 =	sand.u32 $0x40, s31;
	s29 =	sand.u32 $0x7F80, s29;
	v0 =	vadd.f32 v1, v0  }
0x67: {  	s29 =	sor.u32 s31, s29  }
0x68: {  	[tilespmem:s29+$0x6590] =	vst v0  }
0x69: {  	v0 =	vld [tilespmem:s25+$0xFFFFFFF0]  }
0x6a: {  	v1 =	vld [tilespmem:s26+$0xFFFFCDE0];
	_ =	sdelay $0x4  }
0x6b: {  	v1 =	vadd.f32 v1, v0;
	_ =	sdelay $0x1  }
0x6c: {  	[tilespmem:s30+$0x65A0] =	vst v1  }
0x6d: {  	v1 =	vld [tilespmem:s26+$0xFFFFFFE0];
	_ =	sdelay $0x4  }
0x6e: {  	v0 =	vadd.f32 v1, v0;
	_ =	sdelay $0x1  }
0x6f: {  	[tilespmem:s29+$0x65A0] =	vst v0  }
0x70: {  	v0 =	vld [tilespmem:s25+$0x0]  }
0x71: {  	v1 =	vld [tilespmem:s26+$0xFFFFCDF0];
	_ =	sdelay $0x4  }
0x72: {  	v1 =	vadd.f32 v1, v0;
	_ =	sdelay $0x1  }
0x73: {  	[tilespmem:s30+$0x65B0] =	vst v1  }
0x74: {  	v1 =	vld [tilespmem:s26+$0xFFFFFFF0];
	_ =	sdelay $0x4  }
0x75: {  	v0 =	vadd.f32 v1, v0;
	_ =	sdelay $0x1  }
0x76: {  	[tilespmem:s29+$0x65B0] =	vst v0  }
0x77: {  	v0 =	vld [tilespmem:s25+$0x10]  }
0x78: {  	v1 =	vld [tilespmem:s26+$0xFFFFCE00];
	_ =	sdelay $0x3  }
.Ltmp1:
0x79: {  	(pc) =	sbr.rel @p0 .LBB2_5-.Ltmp1, $3  }
0x7a: {  	v1 =	vadd.f32 v1, v0;
	_ =	sdelay $0x1  }
0x7b: {  	[tilespmem:s30+$0x65C0] =	vst v1  }
0x7c: {  	v1 =	vld [tilespmem:s26+$0x0]  }
0x7d: {  	_ =	sdelay $0x3  }
0x7e: {  	s23 =	sadd.s32 $0x1, s23;
	v0 =	vadd.f32 v1, v0  }
0x7f: {  	s24 =	sshll.u32 s24, $0x3;
	p0 =	sne.s32 s23, $0x10  }
.Ltmp2:
0x80: {  	s24 =	sadd.s32 s2, s24;
	[tilespmem:s29+$0x65C0] =	vst v0;
	(pc) =	sbr.rel @p0 .LBB2_2-.Ltmp2, $4  }
0x81: {  	[hbm4b:s24+s4] =	stream.linear.scatter [tilespmem:s21], [sflag:$0x2], $0x6400, $0x38;
	[tilespmem:$0xFB90] =	vst v63  }
0x82: {  	_ =	swait.ge [sflag:s10], $0x6400  }
0x83: {  	[sflag:s10] =	ssyncset.done $0x0  }
0x84: {  	[sflag:s10] =	ssyncadd.s32 $0xFFFF9C00  }
0x85: {  	s22 =	sadd.s32 $0x1, s22  }
0x86: {  	p0 =	sne.s32 s22, s8  }
.Ltmp3:
0x87: {  	_ = 	snop;
	(pc) =	sbr.rel @p0 .LBB2_1-.Ltmp3, $1  }
0x88: {  	_ =	sdelay $0x3  }
0x89: {  	_ =	sfence.sel $0x180000  }
0x8a: {  	[bflag:$0x0] =	sbarrier.arrive $0xFFFF  }
0x8b: {  	p0 =	sne.s32 s3, $0x0;
	_ =	strace $0x90000047  }
0x8c: {  	s0 =	sadd.s32 @!p0 $0x100000, s0;
	[bflag:$0x2] =	sbarrier.arrive $0xFFFF  }
0x8d: {  	[sflag:s0] =	ssyncadd.tile.s32 @!p0 $0x1;
	_ =	shalt  }
.Lfunc_end2:
_tile_overlayer_lowered:
.L_overlay_start_2:
0x8e: {  	(tag) =	ssettag $0x2  }
0x8f: {  	s0 =	rddreg [dreg:$0x0];
	s2 =	stileid.u32  }
0x90: {  	s1 =	rddreg [dreg:$0x1];
	p0 =	sne.s32 s2, $0x0  }
0x91: {  	s3 =	rddreg [dreg:$0x2];
	[bflag:$0x3] =	sbarrier.arrive $0xFFFF;
	s2 =	simm.s32 @!p0 $0x1C02  }
0x92: {  	[timem:s3], [sflag:s2] =	dma.local @!p0 [hbm:s0], s1  }
0x93: {  	s0 =	simm.s32 @!p0 $0x2  }
0x94: {  	_ =	swait.ge @!p0 [sflag:s0], s1  }
0x95: {  	s1 =	ssub.s32 @!p0 $0x0, s1;
	[sflag:s0] =	ssyncset.done @!p0 $0x0  }
0x96: {  	[sflag:s0] =	ssyncadd.s32 @!p0 s1  }
0x97: {  	[bflag:$0x3] =	sbarrier.arrive $0xFFFF  }
0x98: {  	_ =	shalt  }

// kernel: sparse-core-data-format-call.cloned.1.call-start
scs
called_computation_lowered:
.L_overlay_start_0:
0x0: {  	s2 =	sld [smem:$0x3FD9]  }
0x1: {  	s3 =	sld [smem:$0x3FFE];
	_ =	sdelay $0x1  }
0x2: {  	s1 =	srdreg.scid  }
0x3: {  	s0 =	sand.u32 $0x1, s1  }
0x4: {  	s15 =	sshll.u32 s0, $0xA;
	s2 =	sadd.s32 s3, s2  }
0x5: {  	s2 =	sadd.s32 s2, s15  }
0x6: {  	[smem:$0x3FC5] =	sst s2  }
0x7: {  	_ = 	snop  }
0x8: {  	s2 =	sld [smem:$0x3FD0];
	_ =	sdelay $0x2  }
0x9: {  	s16 =	simm.s32 $0xA;
	s4 =	simm.s32 $0x10  }
0xa: {  	[smem:s4], [sflag:s16] =	dma.local [hbm:s2], $0x1  }
0xb: {  	_ =	swait.eq [sflag:s16], $0x1  }
0xc: {  	[sflag:s16] =	ssyncset.done $0x0  }
0xd: {  	[sflag:s16] =	ssyncadd.s32 $0xFFFFFFFF  }
0xe: {  	s17 =	sld [smem:$0x10];
	(tm) =	ssettm $0x1  }
0xf: {  	s18 =	sld [smem:$0x3FFB];
	_ =	sdelay $0x3  }
0x10: {  	_ =	strace s18  }
0x11: {  	s3 =	sld [smem:$0x3FFC];
	_ =	sdelay $0x3  }
0x12: {  	_ =	strace s3  }
0x13: {  	s3 =	sld [smem:$0x3FFD];
	_ =	sdelay $0x3  }
0x14: {  	_ =	strace s3  }
0x15: {  	_ =	strace $0x8FFFFFFF  }
0x16: {  	s19 =	sld [smem:$0x3FDB];
	_ =	sdelay $0x1  }
0x17: {  	s20 =	simm.s32 $_scs_section_size  }
0x18: {  	s5 =	simm.s32 $_size__tile_overlayer_lowered;
	s6 =	simm.s32 $_tile_overlayer_lowered  }
0x19: {  	s23 =	simm.s32 $0x1BFF;
	s22 =	sshll.u32 s6, $0x1;
	s3 =	sadd.s32 s20, s19  }
0x1a: {  	s7 =	simm.s32 $0x0;
	s21 =	sshll.u32 s5, $0x1;
	s5 =	sadd.s32 s22, s3  }
0x1b: {  	[timem:s7], [sflag:s23] =	dma.local [hbm:s5], s21  }
0x1c: {  	_ =	swait.ge [sflag:s23], s21  }
0x1d: {  	s4 =	ssub.s32 $0x0, s21;
	[sflag:s23] =	ssyncset.done $0x0  }
0x1e: {  	[sflag:s23] =	ssyncadd.s32 s4;
	_ =	sdelay $0x1  }
0x1f: {  	s24 =	simm.s32 $0x1B8B  }
0x20: {  	_ =	swait.ge [sflag:s24], $0x1  }
0x21: {  	[sflag:s24] =	ssyncset.done $0x0  }
0x22: {  	s26 =	simm.s32 $0x1B8E;
	s25 =	sld [smem:$0x3FFE];
	[sflag:s24] =	ssyncadd.s32 $0xFFFFFFFF  }
0x23: {  	s27 =	simm.s32 $execute0_lowered;
	[smem:$0x3FD2] =	sst s26  }
0x24: {  	s5 =	sshll.u32 s27, $0x1;
	_ =	strace $0x80000049;
	[dreg:$0x1] =	wrdreg $0xFFFFFFFF  }
0x25: {  	s28 =	simm.s32 $_size_execute0_lowered;
	s3 =	sadd.s32 s3, s5;
	[dreg:$0x0] =	wrdreg $0x0  }
0x26: {  	s5 =	sshll.u32 s28, $0x1;
	[dreg:$0x2] =	wrdreg s3  }
0x27: {  	[dreg:$0x3] =	wrdreg s5  }
0x28: {  	[dreg:$0x4] =	wrdreg $0xC0  }
0x29: {  	_ =	task [dreg:s7], $0x5FFFF  }
0x2a: {  	[dreg:$0x1] =	wrdreg $0xFFFFFFFF  }
0x2b: {  	[dreg:$0x0] =	wrdreg $0x60  }
0x2c: {  	[dreg:$0x2] =	wrdreg s25  }
0x2d: {  	[dreg:$0x3] =	wrdreg s17  }
0x2e: {  	[dreg:$0x4] =	wrdreg $0x9  }
0x2f: {  	_ =	task.clear_ibuf [dreg:s7], $0x5FFFF;
	_ =	strace $0x90000049  }
0x30: {  	s29 =	simm.s32 $0x9;
	_ =	strace $0x8000004B  }
0x31: {  	_ =	swait.ge [sflag:s29], $0x1  }
0x32: {  	[sflag:s29] =	ssyncadd.s32 $0xFFFFFFFF  }
0x33: {  	_ =	strace $0x9000004B  }
0x34: {  	_ =	sfence  }
0x35: {  	s30 =	sld [smem:$0x0];
	_ =	sdelay $0x2  }
0x36: {  	s31 =	sshll.u32 s1, $0xD;
	s1 =	sshrl.u32 s1, $0x2  }
0x37: {  	s3 =	sand.u32 $0x4000, s31;
	s1 =	sadd.s32 s1, s30  }
0x38: {  	s0 =	sor.u32 s3, s0;
	s1 =	sshll.u32 s1, $0x11  }
0x39: {  	s0 =	sor.u32 s1, s0  }
0x3a: {  	s0 =	sadd.s32 $0x8F2B, s0  }
0x3b: {  	[sflag:s0] =	ssyncadd.remote.s32 $0x1  }
0x3c: {  	_ =	sfence.sel $0xFFFF  }
0x3d: {  	[dreg:$0x0] =	wrdreg $0xFFFFFFFF;
	(pc) =	sbr.abs _section_cstart, $3  }
0x3e: {  	[dreg:$0x1] =	wrdreg $0xFFFFFFFF  }
0x3f: {  	_ =	task.clear_ibuf [dreg:s7], $0x2FFFF;
	_ =	strace $0x9FFFFFFF  }
0x40: {  	(tm) =	ssettm $0x7FFFFFFF  }
0x41: {  	_ =	shalt  }
tec
execute0_lowered:
.L_overlay_start_1:
0x0: {  	(tag) =	ssettag $0x1  }
0x1: {  	s0 =	stileid.u32;
	s6 =	rddreg [dreg:$0x0]  }
0x2: {  	s2 =	rddreg [dreg:$0x1];
	s5 =	srdreg.scid  }
0x3: {  	s31 =	simm.s32 $0x2;
	s13 =	simm.s32 $0x0;
	s1 =	sshll.u32 s0, $0x7  }
0x4: {  	s14 =	simm.s32 $0x0;
	s12 =	simm.s32 $0x0;
	s3 =	sand.u32 $0x380, s1  }
0x5: {  	s5 =	sshll.u32 s5, $0x4;
	s6 =	sadd.s32 $0x8C00, s6;
	s4 =	ssub.s32 $0x400, s3  }
0x6: {  	s1 =	rddreg [dreg:$0x2];
	_ =	strace $0x8000004A;
	s7 =	sand.u32 $0x380, s4  }
0x7: {  	s5 =	sand.u32 $0x10, s5;
	p0 =	sne.s32 s7, $0x0;
	s7 =	simm.s32 $0x1  }
.Ltmp0:
0x8: {  	s8 =	sshrl.u32 s4, $0xA;
	s7 =	simm.s32 @!p0 $0x0;
	(pc) =	sbr.rel .LBB1_1-.Ltmp0, $4  }
0x9: {  	s9 =	sor.u32 s0, s5;
	s4 =	simm.s32 $0x1;
	s30 =	sadd.s32 s7, s8  }
0xa: {  	s11 =	smov.u32 s3;
	[sflag:s4] =	ssyncpa.u1 $0x0;
	s5 =	smul.u32 $0x32, s30  }
0xb: {  	[sflag:s31] =	ssyncpa.u1 $0x0;
	p0 =	por $0x0, $0x0;
	s7 =	sshrl.u32 s9, $0x3  }
0xc: {  	s9 =	simm.s32 $0x2000;
	s10 =	smov.u32 s7;
	s8 =	sor.u32 $0x1, s5  }
.LBB1_4:
0xd: {  	s17 =	sand.u32 $0x1F80, s14;
	s13 =	sshll.u32 s13, $0xD  }
0xe: {  	[tilespmem:s16+$0x810 ss:$0x81] =	vst.msk $0xffff, v2;
	s18 =	sshrl.u32 s14, $0x3;
	s31 =	sand.u32 $0x7, s14;
	s17 =	sadd.s32 s2, s17  }
0xf: {  	[tilespmem:s16+$0x1020 ss:$0x81] =	vst.msk $0xffff, v0;
	s18 =	sand.u32 $0xF, s18;
	s14 =	sshll.u32 s31, $0x12;
	s13 =	sadd.s32 s13, s17  }
0x10: {  	[tilespmem:s16+$0x0 ss:$0x81] =	vst.msk $0xffff, v1;
	s14 =	sor.u32 $0x400, s14;
	s13 =	sadd.s32 s18, s13  }
0x11: {  	[hbm4b:s13+s14] =	stream.strided.scatter [tilespmem:s15], [sflag:$0x2], $0x2000, s9, s14, $0x20;
	[tilespmem:$0x8080] =	vst v63  }
.LBB1_5:
0x12: {  	s15 =	sadd.s32 $0x4, s10  }
0x13: {  	s13 =	sadd.s32 $0x400, s11;
	s17 =	smov.u32 s11;
	p2 =	sgt.s32 s15, $0xC7  }
0x14: {  	s17 =	smov.u32 @p2 s13  }
0x15: {  	s15 =	smov.u32 @p2 s7;
	p2 =	sgt.s32 s17, $0x3FF  }
0x16: {  	s17 =	smov.u32 @p2 s3;
	p2 =	sne.s32 s12, s8  }
.Ltmp1:
0x17: {  	p1 =	slt.u32 s12, $0x2;
	(pc) =	sbr.rel @!p2 .LBB1_6-.Ltmp1, $4  }
0x18: {  	s16 =	simm.s32 @!p1 $0x2  }
0x19: {  	s14 =	smov.u32 s11;
	p0 =	por !p0, !p0;
	_ =	swait.ge @!p1 [sflag:s16], $0x2000  }
0x1a: {  	s13 =	smov.u32 s10;
	[sflag:s16] =	ssyncset.done @!p1 $0x0;
	s10 =	smov.u32 s15  }
0x1b: {  	s12 =	sadd.s32 $0x1, s12;
	[sflag:s16] =	ssyncadd.s32 @!p1 $0xFFFFE000;
	s11 =	smov.u32 s17  }
.LBB1_1:
0x1c: {  	p1 =	sge.u32 s12, s5  }
0x1d: {  	s15 =	sand.u32 @!p1 $0x1FFFFFF, s10  }
0x1e: {  	s16 =	smulhi.u32 @!p1 $0x147AE15, s15;
	_ =	sdelay $0x1  }
0x1f: {  	s16 =	smul.u32 @!p1 $0xC8, s16  }
0x20: {  	s17 =	sxor.u32 @!p1 $0xFFFFFFFF, s12;
	s18 =	smul.u32 @!p1 $0xC80, s11  }
0x21: {  	s31 =	sadd.s32 $0xFFFFFFFF, s12;
	s17 =	sshll.u32 @!p1 s17, $0xD;
	s15 =	ssub.s32 @!p1 s15, s16  }
0x22: {  	s16 =	sand.u32 @!p1 $0x2000, s17;
	s17 =	sadd.s32 @!p1 s6, s18;
	s15 =	sshll.u32 @!p1 s15, $0x4  }
0x23: {  	s18 =	simm.s32 @!p1 $0x6400;
	s15 =	sadd.s32 @!p1 s15, s17;
	s17 =	simm.s32 @!p1 $0x40  }
0x24: {  	[tilespmem:s16], [sflag:$0x1] =	stream.strided.gather @!p1 [hbm4b:s15+s17], $0x2000, s18, s17, $0x38;
	[tilespmem:$0x8080] =	vst v63  }
0x25: {  	p1 =	sge.u32 s31, s5  }
.Ltmp2:
0x26: {  	_ = 	snop;
	(pc) =	sbr.rel @p1 .LBB1_5-.Ltmp2, $1  }
0x27: {  	_ =	sdelay $0x3  }
0x28: {  	s15 =	simm.s32 $0x1  }
0x29: {  	_ =	swait.ge [sflag:s4], $0x2000;
	s15 =	simm.s32 @!p0 $0x0  }
0x2a: {  	[sflag:s4] =	ssyncset.done $0x0;
	s16 =	sshll.u32 s15, $0xD  }
0x2b: {  	[sflag:s4] =	ssyncadd.s32 $0xFFFFE000;
	s19 =	sor.u32 $0x20, s16  }
0x2c: {  	s15 =	smul.u32 $0x8100, s15;
	v3 =	vld [tilespmem:s19+$0x10]  }
0x2d: {  	s30 =	sand.u32 $0x1, s12;
	v2 =	vld [tilespmem:s19+$0xFFFFFFF0]  }
0x2e: {  	s16 =	smul.u32 $0x8100, s30;
	s15 =	sshrl.u32 s15, $0x2;
	v0 =	vld [tilespmem:s19+$0x0]  }
0x2f: {  	v1 =	vld [tilespmem:s19+$0xFFFFFFE0];
	s17 =	sor.u32 $0x4000, s15  }
0x30: {  	s31 =	sshrl.u32 s16, $0x2;
	s16 =	sadd.s32 $0x0, s17  }
0x31: {  	s18 =	simm.s32 $0x4;
	s19 =	sadd.s32 $0x40, s19;
	s15 =	sor.u32 $0x4000, s31;
	[tilespmem:s16+$0x1830 ss:$0x81] =	vst.msk $0xffff, v3  }
.LBB1_3:
0x32: {  	v3 =	vld [tilespmem:s19+$0x10];
	p1 =	sne.s32 s18, $0x1FC;
	[tilespmem:s16+$0x810 ss:$0x81] =	vst.msk $0xffff, v2;
	s20 =	smov.u32 s18;
	s18 =	sadd.s32 $0x4, s18  }
.Ltmp3:
0x33: {  	v2 =	vld [tilespmem:s19+$0xFFFFFFF0];
	[tilespmem:s16+$0x1020 ss:$0x81] =	vst.msk $0xffff, v0;
	(pc) =	sbr.rel @p1 .LBB1_3-.Ltmp3, $4  }
0x34: {  	v0 =	vld [tilespmem:s19+$0x0];
	[tilespmem:s16+$0x0 ss:$0x81] =	vst.msk $0xffff, v1  }
0x35: {  	s16 =	sshra.s32 s20, $0x2;
	v1 =	vld [tilespmem:s19+$0xFFFFFFE0]  }
0x36: {  	s16 =	sadd.s32 s16, s17  }
0x37: {  	s19 =	sadd.s32 $0x40, s19;
	[tilespmem:s16+$0x1830 ss:$0x81] =	vst.msk $0xffff, v3  }
.Ltmp4:
0x38: {  	_ = 	snop;
	(pc) =	sbr.rel .LBB1_4-.Ltmp4, $1  }
0x39: {  	_ =	sdelay $0x3  }
.LBB1_6:
0x3a: {  	_ =	sfence.sel $0x180000  }
0x3b: {  	s2 =	simm.s32 $0x1;
	[bflag:$0x0] =	sbarrier.arrive $0xFFFF  }
0x3c: {  	s31 =	simm.s32 $0x2;
	[sflag:s2] =	ssyncpa.u1 $0x1  }
0x3d: {  	[sflag:s31] =	ssyncpa.u1 $0x1  }
0x3e: {  	p0 =	sne.s32 s0, $0x0;
	_ =	strace $0x9000004A  }
0x3f: {  	s0 =	sadd.s32 @!p0 $0x100000, s1;
	[bflag:$0x2] =	sbarrier.arrive $0xFFFF  }
0x40: {  	[sflag:s0] =	ssyncadd.tile.s32 @!p0 $0x1;
	_ =	shalt  }
.Lfunc_end1:
_tile_overlayer_lowered:
.L_overlay_start_2:
0x41: {  	(tag) =	ssettag $0x2  }
0x42: {  	s0 =	rddreg [dreg:$0x0];
	s2 =	stileid.u32  }
0x43: {  	s1 =	rddreg [dreg:$0x1];
	p0 =	sne.s32 s2, $0x0  }
0x44: {  	s3 =	rddreg [dreg:$0x2];
	[bflag:$0x3] =	sbarrier.arrive $0xFFFF;
	s2 =	simm.s32 @!p0 $0x1C01  }
0x45: {  	[timem:s3], [sflag:s2] =	dma.local @!p0 [hbm:s0], s1  }
0x46: {  	s0 =	simm.s32 @!p0 $0x1  }
0x47: {  	_ =	swait.ge @!p0 [sflag:s0], s1  }
0x48: {  	s1 =	ssub.s32 @!p0 $0x0, s1;
	[sflag:s0] =	ssyncset.done @!p0 $0x0  }
0x49: {  	[sflag:s0] =	ssyncadd.s32 @!p0 s1  }
0x4a: {  	[bflag:$0x3] =	sbarrier.arrive $0xFFFF  }
0x4b: {  	_ =	shalt  }

</sc_bundles>
